<compile_context>
chip_gen: v7x
topology: tpu7x:2x2x1
jax: 0.10.2.dev20260603
libtpu: 0.0.44.dev20260713+nightly
codegen_flags: <defaults>
</compile_context>

<pallas_src>
import functools

import jax
import jax.numpy as jnp
from jax import lax
from jax.experimental import pallas as pl
from jax.experimental.pallas import tpu as pltpu
from jax.experimental.pallas import tpu_sc as plsc

N_NODES = 10000
N_PAD = 10240
N_EDGES = 320000
CH = 128

NC = 2
NS = 16
NW = NC * NS
E_PER_W = N_EDGES // NW
C1 = 128
NCH1 = 10240 // C1
E1_PER_W = NCH1 * C1
CHUNK = 80
N_CHUNKS = E_PER_W // CHUNK
ROWS_PER_TILE = N_PAD // NS
DEG_W = 128

_sc_mesh = plsc.VectorSubcoreMesh(core_axis_name="c", subcore_axis_name="s")



@functools.partial(
    pl.kernel,
    mesh=_sc_mesh,
    out_type=jax.ShapeDtypeStruct((NC, N_PAD, DEG_W), jnp.float32),
    scratch_types=[
        pltpu.VMEM((NCH1, 1, C1), jnp.int32),
        pltpu.VMEM((C1, DEG_W), jnp.float32),
        pltpu.VMEM_SHARED((N_PAD, DEG_W), jnp.float32),
        pltpu.SemaphoreType.DMA,
    ],
)
def _deg_kernel(dst_hbm, ones_hbm, zeros_hbm, out_hbm, dst_v, ones_v, acc, sem):
    c = lax.axis_index("c")
    s = lax.axis_index("s")
    wid = c * NS + s
    pltpu.sync_copy(dst_hbm.at[wid], dst_v)
    pltpu.sync_copy(ones_hbm, ones_v)
    pltpu.sync_copy(zeros_hbm.at[pl.ds(s * ROWS_PER_TILE, ROWS_PER_TILE)],
                    acc.at[pl.ds(s * ROWS_PER_TILE, ROWS_PER_TILE)])
    plsc.subcore_barrier()

    def fire(j, _):
        pltpu.async_copy(ones_v, acc.at[dst_v.at[j, 0]], sem, add=True)
        return 0

    def drain(j, _):
        pltpu.make_async_copy(ones_v, acc.at[dst_v.at[0, 0]], sem).wait()
        return 0

    lax.fori_loop(0, NCH1, fire, 0)
    lax.fori_loop(0, NCH1, drain, 0)
    plsc.subcore_barrier()
    pltpu.sync_copy(acc.at[pl.ds(s * ROWS_PER_TILE, ROWS_PER_TILE)],
                    out_hbm.at[c, pl.ds(s * ROWS_PER_TILE, ROWS_PER_TILE)])



def _scale_body(deg0_ref, deg1_ref, x_ref, xs_ref):
    deg = 1.0 + deg0_ref[...][:, 0] + deg1_ref[...][:, 0]
    dinv = 1.0 / jnp.sqrt(deg)
    row = pl.program_id(0) * _R2 + lax.broadcasted_iota(jnp.int32, (_R2, 1), 0)
    xs_ref[...] = jnp.where(row < N_NODES, x_ref[...] * dinv[:, None], 0.0)


_R2 = 2048

_xs_call = pl.pallas_call(
    _scale_body,
    grid=(N_PAD // _R2,),
    in_specs=[
        pl.BlockSpec((_R2, DEG_W), lambda i: (i, 0)),
        pl.BlockSpec((_R2, DEG_W), lambda i: (i, 0)),
        pl.BlockSpec((_R2, CH), lambda i: (i, 0)),
    ],
    out_specs=pl.BlockSpec((_R2, CH), lambda i: (i, 0)),
    out_shape=jax.ShapeDtypeStruct((N_PAD, CH), jnp.float32),
)



@functools.partial(
    pl.kernel,
    mesh=_sc_mesh,
    out_type=jax.ShapeDtypeStruct((NC, N_PAD, CH), jnp.float32),
    scratch_types=[
        pltpu.VMEM((E_PER_W,), jnp.int32),
        pltpu.VMEM((N_CHUNKS, 1, CHUNK), jnp.int32),
        pltpu.VMEM((CHUNK, CH), jnp.float32),
        pltpu.VMEM((CHUNK, CH), jnp.float32),
        pltpu.VMEM_SHARED((N_PAD, CH), jnp.float32),
        pltpu.SemaphoreType.DMA,
        pltpu.SemaphoreType.DMA,
        pltpu.SemaphoreType.DMA,
        pltpu.SemaphoreType.DMA,
    ],
)
def _agg_kernel(xs_hbm, src_hbm, dst_hbm, zeros_hbm, out_hbm,
                src_v, dst_v, rows0, rows1, acc, gsem0, gsem1, ssem0, ssem1):
    c = lax.axis_index("c")
    s = lax.axis_index("s")
    wid = c * NS + s
    pltpu.sync_copy(src_hbm.at[wid], src_v)
    pltpu.sync_copy(dst_hbm.at[wid], dst_v)
    pltpu.sync_copy(zeros_hbm.at[pl.ds(s * ROWS_PER_TILE, ROWS_PER_TILE)],
                    acc.at[pl.ds(s * ROWS_PER_TILE, ROWS_PER_TILE)])
    plsc.subcore_barrier()

    def g_start(j, buf, sem):
        pltpu.async_copy(
            xs_hbm.at[src_v.at[pl.ds(j * CHUNK, CHUNK)]], buf, sem)

    def g_wait(buf, sem):
        pltpu.make_async_copy(
            xs_hbm.at[src_v.at[pl.ds(0, CHUNK)]], buf, sem).wait()

    def s_start(j, buf, sem):
        pltpu.async_copy(buf, acc.at[dst_v.at[j, 0]], sem, add=True)

    def s_wait(buf, sem):
        pltpu.make_async_copy(buf, acc.at[dst_v.at[0, 0]], sem).wait()

    g_start(0, rows0, gsem0)
    g_start(1, rows1, gsem1)

    def loop_body(j, _):
        g_wait(rows0, gsem0)
        s_start(j, rows0, ssem0)
        s_wait(rows0, ssem0)
        g_start(j + 2, rows0, gsem0)
        g_wait(rows1, gsem1)
        s_start(j + 1, rows1, ssem1)
        s_wait(rows1, ssem1)
        g_start(j + 3, rows1, gsem1)
        return 0

    lax.fori_loop(0, (N_CHUNKS - 3) // 2, lambda i, v: loop_body(2 * i, v), 0)
    g_wait(rows0, gsem0)
    s_start(N_CHUNKS - 3, rows0, ssem0)
    s_wait(rows0, ssem0)
    g_start(N_CHUNKS - 1, rows0, gsem0)
    g_wait(rows1, gsem1)
    s_start(N_CHUNKS - 2, rows1, ssem1)
    s_wait(rows1, ssem1)
    g_wait(rows0, gsem0)
    s_start(N_CHUNKS - 1, rows0, ssem0)
    s_wait(rows0, ssem0)

    plsc.subcore_barrier()
    pltpu.sync_copy(acc.at[pl.ds(s * ROWS_PER_TILE, ROWS_PER_TILE)],
                    out_hbm.at[c, pl.ds(s * ROWS_PER_TILE, ROWS_PER_TILE)])



def _gru_body(deg0_ref, deg1_ref, p0_ref, p1_ref, xs_ref, wz_ref, bz_ref,
              wh_ref, bh_ref, out_ref):
    deg = 1.0 + deg0_ref[...][:, 0] + deg1_ref[...][:, 0]
    dinv = 1.0 / jnp.sqrt(deg)
    p = (p0_ref[...] + p1_ref[...] + xs_ref[...]) * dinv[:, None]
    z = jax.nn.sigmoid(
        jnp.dot(p, wz_ref[...], preferred_element_type=jnp.float32) + bz_ref[...])
    ht = jnp.tanh(
        jnp.dot(p, wh_ref[...], preferred_element_type=jnp.float32) + bh_ref[...])
    out_ref[...] = (1.0 - z) * ht


_R4 = 2048

_gru_call = pl.pallas_call(
    _gru_body,
    grid=(N_PAD // _R4,),
    in_specs=[
        pl.BlockSpec((_R4, DEG_W), lambda i: (i, 0)),
        pl.BlockSpec((_R4, DEG_W), lambda i: (i, 0)),
        pl.BlockSpec((_R4, CH), lambda i: (i, 0)),
        pl.BlockSpec((_R4, CH), lambda i: (i, 0)),
        pl.BlockSpec((_R4, CH), lambda i: (i, 0)),
        pl.BlockSpec((CH, CH), lambda i: (0, 0)),
        pl.BlockSpec((1, CH), lambda i: (0, 0)),
        pl.BlockSpec((CH, CH), lambda i: (0, 0)),
        pl.BlockSpec((1, CH), lambda i: (0, 0)),
    ],
    out_specs=pl.BlockSpec((_R4, CH), lambda i: (i, 0)),
    out_shape=jax.ShapeDtypeStruct((N_NODES, CH), jnp.float32),
)


def kernel(x, edge_index, Wz, bz, Wr, br, Wh, bh):
    src = edge_index[0].reshape(NW, E_PER_W)
    dst = edge_index[1].reshape(NW, N_CHUNKS, 1, CHUNK)
    pad = jnp.full((NW, E1_PER_W - E_PER_W), N_PAD - 1, edge_index.dtype)
    dst1 = jnp.concatenate([edge_index[1].reshape(NW, E_PER_W), pad], axis=1)
    dst1 = dst1.reshape(NW, NCH1, 1, C1)

    ones_deg = jnp.ones((C1, DEG_W), jnp.float32)
    zeros_deg = jnp.zeros((N_PAD, DEG_W), jnp.float32)
    zeros_rows = jnp.zeros((N_PAD, CH), jnp.float32)

    deg_parts = _deg_kernel(dst1, ones_deg, zeros_deg)
    deg0, deg1 = deg_parts[0], deg_parts[1]
    xs = _xs_call(deg0, deg1, x)
    parts = _agg_kernel(xs, src, dst, zeros_rows)
    return _gru_call(deg0, deg1, parts[0], parts[1], xs,
                     Wz[:CH], bz.reshape(1, CH), Wh[:CH], bh.reshape(1, CH))

# --- scband reference (transcript-rebuilt; emitter-appended) ---
"""Pipeline reference for scband-gconv-grumanual-86827058856609 (READ-ONLY COPY).

The authoritative reference and input builder live on the scoring server;
editing this copy changes nothing except your own understanding.
"""

import jax, jax.numpy as jnp
import numpy as np

N_NODES = 10000
N_EDGES = 320000
IN_CH = 128
HID_CH = 128


def _gcn_conv(x, edge_index, W, b):
    """GCNConv: symmetric-normalized aggregation with self-loops, then linear.
    out = D^{-1/2} (A + I) D^{-1/2} X W + b
    """
    n = x.shape[0]
    xw = x @ W  # [N, out]
    loop = jnp.arange(n, dtype=edge_index.dtype)
    src = jnp.concatenate([edge_index[0], loop])
    dst = jnp.concatenate([edge_index[1], loop])
    deg = jnp.zeros(n, dtype=xw.dtype).at[dst].add(1.0)
    dinv = jnp.where(deg > 0, 1.0 / jnp.sqrt(deg), 0.0)
    norm = dinv[src] * dinv[dst]
    msgs = xw[src] * norm[:, None]
    out = jnp.zeros_like(xw).at[dst].add(msgs)
    return out + b


def setup_inputs(seed: int = 0) -> dict:
    key = jax.random.key(seed)
    k_x, k_ei, kz1, kz2, kr1, kr2, kh1, kh2 = [jax.random.fold_in(key, i) for i in range(8)]
    x = jax.random.normal(k_x, (N_NODES, IN_CH), dtype=jnp.float32)
    edge_index = jax.random.randint(k_ei, (2, N_EDGES), 0, N_NODES, dtype=jnp.int64 if jax.config.jax_enable_x64 else jnp.int32)
    d_in = IN_CH + HID_CH
    scale = 1.0 / np.sqrt(d_in)
    Wz = jax.random.uniform(kz1, (d_in, HID_CH), jnp.float32, -scale, scale)
    bz = jax.random.uniform(kz2, (HID_CH,), jnp.float32, -scale, scale)
    Wr = jax.random.uniform(kr1, (d_in, HID_CH), jnp.float32, -scale, scale)
    br = jax.random.uniform(kr2, (HID_CH,), jnp.float32, -scale, scale)
    Wh = jax.random.uniform(kh1, (d_in, HID_CH), jnp.float32, -scale, scale)
    bh = jax.random.uniform(kh2, (HID_CH,), jnp.float32, -scale, scale)
    return {"x": x, "edge_index": edge_index, "Wz": Wz, "bz": bz, "Wr": Wr, "br": br, "Wh": Wh, "bh": bh}


def reference(x, edge_index, Wz, bz, Wr, br, Wh, bh):
    h = jnp.zeros((x.shape[0], HID_CH), dtype=x.dtype)
    h_in = jnp.concatenate([x, h], axis=-1)
    z = jax.nn.sigmoid(_gcn_conv(h_in, edge_index, Wz, bz))
    r = jax.nn.sigmoid(_gcn_conv(h_in, edge_index, Wr, br))
    h_cand = jnp.concatenate([x, r * h], axis=-1)
    h_tilde = jnp.tanh(_gcn_conv(h_cand, edge_index, Wh, bh))
    new_h = z * h + (1 - z) * h_tilde
    return new_h

if __name__ == "__main__":
    import jax
    _d = setup_inputs()
    print(jax.jit(kernel)(*tuple(_d.values())))

</pallas_src>

<mosaic_0001>
#map = affine_map<(d0, d1) -> (0, 0, 0, 0)>
#map1 = affine_map<(d0, d1) -> (0, 0)>
#map2 = affine_map<(d0, d1) -> (0, 0, 0)>
module attributes {stable_mosaic.version = 14 : i64} {
  func.func @_deg_kernel(%arg0: i32, %arg1: i32, %arg2: memref<32x80x1x128xi32, #tpu.memory_space<hbm>>, %arg3: memref<128x128xf32, #tpu.memory_space<hbm>>, %arg4: memref<10240x128xf32, #tpu.memory_space<hbm>>, %arg5: memref<2x10240x128xf32, #tpu.memory_space<hbm>>, %arg6: memref<80x1x128xi32, #tpu.memory_space<vmem>>, %arg7: memref<128x128xf32, #tpu.memory_space<vmem>>, %arg8: memref<10240x128xf32, #tpu.memory_space<vmem_shared>>, %arg9: memref<!tpu.dma_semaphore, #tpu.memory_space<semaphore_mem>>) attributes {dimension_semantics = [#tpu.dimension_semantics<core_parallel>, #tpu.dimension_semantics<subcore_parallel>], iteration_bounds = array<i64: 2, 16>, scalar_prefetch = 0 : i64, scratch_operands = 4 : i64, tpu.core_type = #tpu.core_type<sc_vector_subcore>, window_params = [{transform_indices = #map}, {transform_indices = #map1}, {transform_indices = #map1}, {transform_indices = #map2}]} {
    %mul3A = arith.constant 16 : i32
    %mul3A_0 = arith.muli %arg0, %mul3A : i32
    %add3A = arith.addi %mul3A_0, %arg1 : i32
    "tpu.region"() ({
      %run_scoped3A = tpu.sem_alloc : memref<!tpu.dma_semaphore, #tpu.memory_space<semaphore_mem>>
      %dma_start3A = arith.constant 0 : i32
      %dma_start3A_23 = arith.constant 0 : i32
      %dma_start3A_24 = arith.constant 0 : i32
      %dma_start3A_25 = tpu.memref_slice %arg2[%add3A, %dma_start3A, %dma_start3A_23, %dma_start3A_24] : memref<32x80x1x128xi32, #tpu.memory_space<hbm>> -> memref<1x80x1x128xi32, #tpu.memory_space<hbm>>
      %dma_start3A_26 = tpu.memref_squeeze %dma_start3A_25 : memref<1x80x1x128xi32, #tpu.memory_space<hbm>> -> memref<80x1x128xi32, #tpu.memory_space<hbm>>
      %dma_start3A_27 = arith.constant 0 : i32
      %dma_start3A_28 = arith.constant 0 : i32
      %dma_start3A_29 = arith.constant 0 : i32
      %dma_start3A_30 = tpu.memref_slice %arg2[%add3A, %dma_start3A_27, %dma_start3A_28, %dma_start3A_29] : memref<32x80x1x128xi32, #tpu.memory_space<hbm>> -> memref<1x80x1x128xi32, #tpu.memory_space<hbm>>
      %dma_start3A_31 = tpu.memref_squeeze %dma_start3A_30 : memref<1x80x1x128xi32, #tpu.memory_space<hbm>> -> memref<80x1x128xi32, #tpu.memory_space<hbm>>
      tpu.enqueue_dma source(%dma_start3A_31 : memref<80x1x128xi32, #tpu.memory_space<hbm>>) target(%arg6 : memref<80x1x128xi32, #tpu.memory_space<vmem>>) target_semaphore(%run_scoped3A : memref<!tpu.dma_semaphore, #tpu.memory_space<semaphore_mem>>)
      %dma_wait3A = arith.constant 0 : i32
      %dma_wait3A_32 = arith.constant 0 : i32
      %dma_wait3A_33 = arith.constant 0 : i32
      %dma_wait3A_34 = tpu.memref_slice %arg2[%add3A, %dma_wait3A, %dma_wait3A_32, %dma_wait3A_33] : memref<32x80x1x128xi32, #tpu.memory_space<hbm>> -> memref<1x80x1x128xi32, #tpu.memory_space<hbm>>
      %dma_wait3A_35 = tpu.memref_squeeze %dma_wait3A_34 : memref<1x80x1x128xi32, #tpu.memory_space<hbm>> -> memref<80x1x128xi32, #tpu.memory_space<hbm>>
      %dma_wait3A_36 = arith.constant 0 : i32
      %dma_wait3A_37 = arith.constant 0 : i32
      %dma_wait3A_38 = arith.constant 0 : i32
      %dma_wait3A_39 = tpu.memref_slice %arg2[%add3A, %dma_wait3A_36, %dma_wait3A_37, %dma_wait3A_38] : memref<32x80x1x128xi32, #tpu.memory_space<hbm>> -> memref<1x80x1x128xi32, #tpu.memory_space<hbm>>
      %dma_wait3A_40 = tpu.memref_squeeze %dma_wait3A_39 : memref<1x80x1x128xi32, #tpu.memory_space<hbm>> -> memref<80x1x128xi32, #tpu.memory_space<hbm>>
      tpu.wait_dma2 semaphore(%run_scoped3A : memref<!tpu.dma_semaphore, #tpu.memory_space<semaphore_mem>>) src(%dma_wait3A_40 : memref<80x1x128xi32, #tpu.memory_space<hbm>>) dst(%arg6 : memref<80x1x128xi32, #tpu.memory_space<vmem>>)
      tpu.yield
    }) : () -> ()
    "tpu.region"() ({
      %run_scoped3A = tpu.sem_alloc : memref<!tpu.dma_semaphore, #tpu.memory_space<semaphore_mem>>
      tpu.enqueue_dma source(%arg3 : memref<128x128xf32, #tpu.memory_space<hbm>>) target(%arg7 : memref<128x128xf32, #tpu.memory_space<vmem>>) target_semaphore(%run_scoped3A : memref<!tpu.dma_semaphore, #tpu.memory_space<semaphore_mem>>)
      tpu.wait_dma2 semaphore(%run_scoped3A : memref<!tpu.dma_semaphore, #tpu.memory_space<semaphore_mem>>) src(%arg3 : memref<128x128xf32, #tpu.memory_space<hbm>>) dst(%arg7 : memref<128x128xf32, #tpu.memory_space<vmem>>)
      tpu.yield
    }) : () -> ()
    %mul3A_1 = arith.constant 640 : i32
    %mul3A_2 = arith.muli %arg1, %mul3A_1 : i32
    %mul3A_3 = arith.constant 640 : i32
    %mul3A_4 = arith.muli %arg1, %mul3A_3 : i32
    "tpu.region"() ({
      %run_scoped3A = tpu.sem_alloc : memref<!tpu.dma_semaphore, #tpu.memory_space<semaphore_mem>>
      %dma_start3A = arith.constant 0 : i32
      %dma_start3A_23 = tpu.memref_slice %arg8[%mul3A_4, %dma_start3A] : memref<10240x128xf32, #tpu.memory_space<vmem_shared>> -> memref<640x128xf32, #tpu.memory_space<vmem_shared>>
      %dma_start3A_24 = arith.constant 0 : i32
      %dma_start3A_25 = tpu.memref_slice %arg4[%mul3A_2, %dma_start3A_24] : memref<10240x128xf32, #tpu.memory_space<hbm>> -> memref<640x128xf32, #tpu.memory_space<hbm>>
      tpu.enqueue_dma source(%dma_start3A_25 : memref<640x128xf32, #tpu.memory_space<hbm>>) target(%dma_start3A_23 : memref<640x128xf32, #tpu.memory_space<vmem_shared>>) target_semaphore(%run_scoped3A : memref<!tpu.dma_semaphore, #tpu.memory_space<semaphore_mem>>)
      %dma_wait3A = arith.constant 0 : i32
      %dma_wait3A_26 = tpu.memref_slice %arg8[%mul3A_4, %dma_wait3A] : memref<10240x128xf32, #tpu.memory_space<vmem_shared>> -> memref<640x128xf32, #tpu.memory_space<vmem_shared>>
      %dma_wait3A_27 = arith.constant 0 : i32
      %dma_wait3A_28 = tpu.memref_slice %arg4[%mul3A_2, %dma_wait3A_27] : memref<10240x128xf32, #tpu.memory_space<hbm>> -> memref<640x128xf32, #tpu.memory_space<hbm>>
      tpu.wait_dma2 semaphore(%run_scoped3A : memref<!tpu.dma_semaphore, #tpu.memory_space<semaphore_mem>>) src(%dma_wait3A_28 : memref<640x128xf32, #tpu.memory_space<hbm>>) dst(%dma_wait3A_26 : memref<640x128xf32, #tpu.memory_space<vmem_shared>>)
      tpu.yield
    }) : () -> ()
    %barrier3A = arith.constant 0 : index
    tpu.barrier barrier_id(%barrier3A)
    %scan3A = arith.constant 0 : i32
    %scan3A_5 = arith.constant 0 : i32
    %scan3A_6 = arith.constant 80 : i32
    %scan3A_7 = arith.addi %scan3A_5, %scan3A_6 : i32
    %scan3A_8 = arith.constant 1 : i32
    %scan3A_9 = scf.for %scan3A_23 = %scan3A_5 to %scan3A_7 step %scan3A_8 iter_args(%scan3A_24 = %scan3A) -> (i32)  : i32 {
      %dma_start3A = arith.constant 0 : i32
      %dma_start3A_25 = arith.constant 0 : i32
      %dma_start3A_26 = tpu.memref_slice %arg6[%scan3A_23, %dma_start3A, %dma_start3A_25] : memref<80x1x128xi32, #tpu.memory_space<vmem>> -> memref<1x1x128xi32, #tpu.memory_space<vmem>>
      %dma_start3A_27 = tpu.memref_squeeze %dma_start3A_26 : memref<1x1x128xi32, #tpu.memory_space<vmem>> -> memref<128xi32, #tpu.memory_space<vmem>>
      %dma_start3A_28 = arith.constant 0 : i32
      %dma_start3A_29 = arith.constant 0 : i32
      %dma_start3A_30 = tpu.memref_slice %arg8[%dma_start3A_28, %dma_start3A_29] : memref<10240x128xf32, #tpu.memory_space<vmem_shared>> -> memref<10240x128xf32, #tpu.memory_space<vmem_shared>>
      tpu.enqueue_indirect_dma source(%arg7 : memref<128x128xf32, #tpu.memory_space<vmem>>) target(%dma_start3A_30 : memref<10240x128xf32, #tpu.memory_space<vmem_shared>>) offsets(%dma_start3A_27 : memref<128xi32, #tpu.memory_space<vmem>>) semaphore(%arg9 : memref<!tpu.dma_semaphore, #tpu.memory_space<semaphore_mem>>) {add = true}
      %scan3A_31 = arith.constant 0 : i32
      scf.yield %scan3A_31 : i32
    }
    %scan3A_10 = arith.constant 80 : i32
    %scan3A_11 = arith.constant 0 : i32
    %scan3A_12 = arith.constant 0 : i32
    %scan3A_13 = arith.constant 80 : i32
    %scan3A_14 = arith.addi %scan3A_12, %scan3A_13 : i32
    %scan3A_15 = arith.constant 1 : i32
    %scan3A_16 = scf.for %scan3A_23 = %scan3A_12 to %scan3A_14 step %scan3A_15 iter_args(%scan3A_24 = %scan3A_11) -> (i32)  : i32 {
      %dma_wait3A = arith.constant 0 : i32
      %dma_wait3A_25 = arith.constant 0 : i32
      %dma_wait3A_26 = arith.constant 0 : i32
      %dma_wait3A_27 = tpu.memref_slice %arg6[%dma_wait3A, %dma_wait3A_25, %dma_wait3A_26] : memref<80x1x128xi32, #tpu.memory_space<vmem>> -> memref<1x1x128xi32, #tpu.memory_space<vmem>>
      %dma_wait3A_28 = tpu.memref_squeeze %dma_wait3A_27 : memref<1x1x128xi32, #tpu.memory_space<vmem>> -> memref<128xi32, #tpu.memory_space<vmem>>
      %dma_wait3A_29 = arith.constant 0 : i32
      %dma_wait3A_30 = arith.constant 0 : i32
      %dma_wait3A_31 = tpu.memref_slice %arg8[%dma_wait3A_29, %dma_wait3A_30] : memref<10240x128xf32, #tpu.memory_space<vmem_shared>> -> memref<10240x128xf32, #tpu.memory_space<vmem_shared>>
      tpu.wait_indirect_dma semaphore(%arg9 : memref<!tpu.dma_semaphore, #tpu.memory_space<semaphore_mem>>) src(%arg7 : memref<128x128xf32, #tpu.memory_space<vmem>>) dst(%dma_wait3A_31 : memref<10240x128xf32, #tpu.memory_space<vmem_shared>>)
      %scan3A_32 = arith.constant 0 : i32
      scf.yield %scan3A_32 : i32
    }
    %scan3A_17 = arith.constant 80 : i32
    %barrier3A_18 = arith.constant 0 : index
    tpu.barrier barrier_id(%barrier3A_18)
    %mul3A_19 = arith.constant 640 : i32
    %mul3A_20 = arith.muli %arg1, %mul3A_19 : i32
    %mul3A_21 = arith.constant 640 : i32
    %mul3A_22 = arith.muli %arg1, %mul3A_21 : i32
    "tpu.region"() ({
      %run_scoped3A = tpu.sem_alloc : memref<!tpu.dma_semaphore, #tpu.memory_space<semaphore_mem>>
      %dma_start3A = arith.constant 0 : i32
      %dma_start3A_23 = tpu.memref_slice %arg5[%arg0, %mul3A_22, %dma_start3A] : memref<2x10240x128xf32, #tpu.memory_space<hbm>> -> memref<1x640x128xf32, #tpu.memory_space<hbm>>
      %dma_start3A_24 = tpu.memref_squeeze %dma_start3A_23 : memref<1x640x128xf32, #tpu.memory_space<hbm>> -> memref<640x128xf32, #tpu.memory_space<hbm>>
      %dma_start3A_25 = arith.constant 0 : i32
      %dma_start3A_26 = tpu.memref_slice %arg8[%mul3A_20, %dma_start3A_25] : memref<10240x128xf32, #tpu.memory_space<vmem_shared>> -> memref<640x128xf32, #tpu.memory_space<vmem_shared>>
      tpu.enqueue_dma source(%dma_start3A_26 : memref<640x128xf32, #tpu.memory_space<vmem_shared>>) target(%dma_start3A_24 : memref<640x128xf32, #tpu.memory_space<hbm>>) target_semaphore(%run_scoped3A : memref<!tpu.dma_semaphore, #tpu.memory_space<semaphore_mem>>)
      %dma_wait3A = arith.constant 0 : i32
      %dma_wait3A_27 = tpu.memref_slice %arg5[%arg0, %mul3A_22, %dma_wait3A] : memref<2x10240x128xf32, #tpu.memory_space<hbm>> -> memref<1x640x128xf32, #tpu.memory_space<hbm>>
      %dma_wait3A_28 = tpu.memref_squeeze %dma_wait3A_27 : memref<1x640x128xf32, #tpu.memory_space<hbm>> -> memref<640x128xf32, #tpu.memory_space<hbm>>
      %dma_wait3A_29 = arith.constant 0 : i32
      %dma_wait3A_30 = tpu.memref_slice %arg8[%mul3A_20, %dma_wait3A_29] : memref<10240x128xf32, #tpu.memory_space<vmem_shared>> -> memref<640x128xf32, #tpu.memory_space<vmem_shared>>
      tpu.wait_dma2 semaphore(%run_scoped3A : memref<!tpu.dma_semaphore, #tpu.memory_space<semaphore_mem>>) src(%dma_wait3A_30 : memref<640x128xf32, #tpu.memory_space<vmem_shared>>) dst(%dma_wait3A_28 : memref<640x128xf32, #tpu.memory_space<hbm>>)
      tpu.yield
    }) : () -> ()
    return
  }
}

#map = affine_map<(d0, d1) -> (0, 0)>
#map1 = affine_map<(d0, d1) -> (0, 0, 0, 0)>
#map2 = affine_map<(d0, d1) -> (0, 0, 0)>
module attributes {stable_mosaic.version = 14 : i64} {
  func.func @_agg_kernel(%arg0: i32, %arg1: i32, %arg2: memref<10240x128xf32, #tpu.memory_space<hbm>>, %arg3: memref<32x10000xi32, #tpu.memory_space<hbm>>, %arg4: memref<32x125x1x80xi32, #tpu.memory_space<hbm>>, %arg5: memref<10240x128xf32, #tpu.memory_space<hbm>>, %arg6: memref<2x10240x128xf32, #tpu.memory_space<hbm>>, %arg7: memref<10000xi32, #tpu.memory_space<vmem>>, %arg8: memref<125x1x80xi32, #tpu.memory_space<vmem>>, %arg9: memref<80x128xf32, #tpu.memory_space<vmem>>, %arg10: memref<80x128xf32, #tpu.memory_space<vmem>>, %arg11: memref<10240x128xf32, #tpu.memory_space<vmem_shared>>, %arg12: memref<!tpu.dma_semaphore, #tpu.memory_space<semaphore_mem>>, %arg13: memref<!tpu.dma_semaphore, #tpu.memory_space<semaphore_mem>>, %arg14: memref<!tpu.dma_semaphore, #tpu.memory_space<semaphore_mem>>, %arg15: memref<!tpu.dma_semaphore, #tpu.memory_space<semaphore_mem>>) attributes {dimension_semantics = [#tpu.dimension_semantics<core_parallel>, #tpu.dimension_semantics<subcore_parallel>], iteration_bounds = array<i64: 2, 16>, scalar_prefetch = 0 : i64, scratch_operands = 9 : i64, tpu.core_type = #tpu.core_type<sc_vector_subcore>, window_params = [{transform_indices = #map}, {transform_indices = #map}, {transform_indices = #map1}, {transform_indices = #map}, {transform_indices = #map2}]} {
    %mul3A = arith.constant 16 : i32
    %mul3A_0 = arith.muli %arg0, %mul3A : i32
    %add3A = arith.addi %mul3A_0, %arg1 : i32
    "tpu.region"() ({
      %run_scoped3A = tpu.sem_alloc : memref<!tpu.dma_semaphore, #tpu.memory_space<semaphore_mem>>
      %dma_start3A_92 = arith.constant 0 : i32
      %dma_start3A_93 = tpu.memref_slice %arg3[%add3A, %dma_start3A_92] : memref<32x10000xi32, #tpu.memory_space<hbm>> -> memref<1x10000xi32, #tpu.memory_space<hbm>>
      %dma_start3A_94 = tpu.memref_squeeze %dma_start3A_93 : memref<1x10000xi32, #tpu.memory_space<hbm>> -> memref<10000xi32, #tpu.memory_space<hbm>>
      %dma_start3A_95 = arith.constant 0 : i32
      %dma_start3A_96 = tpu.memref_slice %arg3[%add3A, %dma_start3A_95] : memref<32x10000xi32, #tpu.memory_space<hbm>> -> memref<1x10000xi32, #tpu.memory_space<hbm>>
      %dma_start3A_97 = tpu.memref_squeeze %dma_start3A_96 : memref<1x10000xi32, #tpu.memory_space<hbm>> -> memref<10000xi32, #tpu.memory_space<hbm>>
      tpu.enqueue_dma source(%dma_start3A_97 : memref<10000xi32, #tpu.memory_space<hbm>>) target(%arg7 : memref<10000xi32, #tpu.memory_space<vmem>>) target_semaphore(%run_scoped3A : memref<!tpu.dma_semaphore, #tpu.memory_space<semaphore_mem>>)
      %dma_wait3A_98 = arith.constant 0 : i32
      %dma_wait3A_99 = tpu.memref_slice %arg3[%add3A, %dma_wait3A_98] : memref<32x10000xi32, #tpu.memory_space<hbm>> -> memref<1x10000xi32, #tpu.memory_space<hbm>>
      %dma_wait3A_100 = tpu.memref_squeeze %dma_wait3A_99 : memref<1x10000xi32, #tpu.memory_space<hbm>> -> memref<10000xi32, #tpu.memory_space<hbm>>
      %dma_wait3A_101 = arith.constant 0 : i32
      %dma_wait3A_102 = tpu.memref_slice %arg3[%add3A, %dma_wait3A_101] : memref<32x10000xi32, #tpu.memory_space<hbm>> -> memref<1x10000xi32, #tpu.memory_space<hbm>>
      %dma_wait3A_103 = tpu.memref_squeeze %dma_wait3A_102 : memref<1x10000xi32, #tpu.memory_space<hbm>> -> memref<10000xi32, #tpu.memory_space<hbm>>
      tpu.wait_dma2 semaphore(%run_scoped3A : memref<!tpu.dma_semaphore, #tpu.memory_space<semaphore_mem>>) src(%dma_wait3A_103 : memref<10000xi32, #tpu.memory_space<hbm>>) dst(%arg7 : memref<10000xi32, #tpu.memory_space<vmem>>)
      tpu.yield
    }) : () -> ()
    "tpu.region"() ({
      %run_scoped3A = tpu.sem_alloc : memref<!tpu.dma_semaphore, #tpu.memory_space<semaphore_mem>>
      %dma_start3A_92 = arith.constant 0 : i32
      %dma_start3A_93 = arith.constant 0 : i32
      %dma_start3A_94 = arith.constant 0 : i32
      %dma_start3A_95 = tpu.memref_slice %arg4[%add3A, %dma_start3A_92, %dma_start3A_93, %dma_start3A_94] : memref<32x125x1x80xi32, #tpu.memory_space<hbm>> -> memref<1x125x1x80xi32, #tpu.memory_space<hbm>>
      %dma_start3A_96 = tpu.memref_squeeze %dma_start3A_95 : memref<1x125x1x80xi32, #tpu.memory_space<hbm>> -> memref<125x1x80xi32, #tpu.memory_space<hbm>>
      %dma_start3A_97 = arith.constant 0 : i32
      %dma_start3A_98 = arith.constant 0 : i32
      %dma_start3A_99 = arith.constant 0 : i32
      %dma_start3A_100 = tpu.memref_slice %arg4[%add3A, %dma_start3A_97, %dma_start3A_98, %dma_start3A_99] : memref<32x125x1x80xi32, #tpu.memory_space<hbm>> -> memref<1x125x1x80xi32, #tpu.memory_space<hbm>>
      %dma_start3A_101 = tpu.memref_squeeze %dma_start3A_100 : memref<1x125x1x80xi32, #tpu.memory_space<hbm>> -> memref<125x1x80xi32, #tpu.memory_space<hbm>>
      tpu.enqueue_dma source(%dma_start3A_101 : memref<125x1x80xi32, #tpu.memory_space<hbm>>) target(%arg8 : memref<125x1x80xi32, #tpu.memory_space<vmem>>) target_semaphore(%run_scoped3A : memref<!tpu.dma_semaphore, #tpu.memory_space<semaphore_mem>>)
      %dma_wait3A_102 = arith.constant 0 : i32
      %dma_wait3A_103 = arith.constant 0 : i32
      %dma_wait3A_104 = arith.constant 0 : i32
      %dma_wait3A_105 = tpu.memref_slice %arg4[%add3A, %dma_wait3A_102, %dma_wait3A_103, %dma_wait3A_104] : memref<32x125x1x80xi32, #tpu.memory_space<hbm>> -> memref<1x125x1x80xi32, #tpu.memory_space<hbm>>
      %dma_wait3A_106 = tpu.memref_squeeze %dma_wait3A_105 : memref<1x125x1x80xi32, #tpu.memory_space<hbm>> -> memref<125x1x80xi32, #tpu.memory_space<hbm>>
      %dma_wait3A_107 = arith.constant 0 : i32
      %dma_wait3A_108 = arith.constant 0 : i32
      %dma_wait3A_109 = arith.constant 0 : i32
      %dma_wait3A_110 = tpu.memref_slice %arg4[%add3A, %dma_wait3A_107, %dma_wait3A_108, %dma_wait3A_109] : memref<32x125x1x80xi32, #tpu.memory_space<hbm>> -> memref<1x125x1x80xi32, #tpu.memory_space<hbm>>
      %dma_wait3A_111 = tpu.memref_squeeze %dma_wait3A_110 : memref<1x125x1x80xi32, #tpu.memory_space<hbm>> -> memref<125x1x80xi32, #tpu.memory_space<hbm>>
      tpu.wait_dma2 semaphore(%run_scoped3A : memref<!tpu.dma_semaphore, #tpu.memory_space<semaphore_mem>>) src(%dma_wait3A_111 : memref<125x1x80xi32, #tpu.memory_space<hbm>>) dst(%arg8 : memref<125x1x80xi32, #tpu.memory_space<vmem>>)
      tpu.yield
    }) : () -> ()
    %mul3A_1 = arith.constant 640 : i32
    %mul3A_2 = arith.muli %arg1, %mul3A_1 : i32
    %mul3A_3 = arith.constant 640 : i32
    %mul3A_4 = arith.muli %arg1, %mul3A_3 : i32
    "tpu.region"() ({
      %run_scoped3A = tpu.sem_alloc : memref<!tpu.dma_semaphore, #tpu.memory_space<semaphore_mem>>
      %dma_start3A_92 = arith.constant 0 : i32
      %dma_start3A_93 = tpu.memref_slice %arg11[%mul3A_4, %dma_start3A_92] : memref<10240x128xf32, #tpu.memory_space<vmem_shared>> -> memref<640x128xf32, #tpu.memory_space<vmem_shared>>
      %dma_start3A_94 = arith.constant 0 : i32
      %dma_start3A_95 = tpu.memref_slice %arg5[%mul3A_2, %dma_start3A_94] : memref<10240x128xf32, #tpu.memory_space<hbm>> -> memref<640x128xf32, #tpu.memory_space<hbm>>
      tpu.enqueue_dma source(%dma_start3A_95 : memref<640x128xf32, #tpu.memory_space<hbm>>) target(%dma_start3A_93 : memref<640x128xf32, #tpu.memory_space<vmem_shared>>) target_semaphore(%run_scoped3A : memref<!tpu.dma_semaphore, #tpu.memory_space<semaphore_mem>>)
      %dma_wait3A_96 = arith.constant 0 : i32
      %dma_wait3A_97 = tpu.memref_slice %arg11[%mul3A_4, %dma_wait3A_96] : memref<10240x128xf32, #tpu.memory_space<vmem_shared>> -> memref<640x128xf32, #tpu.memory_space<vmem_shared>>
      %dma_wait3A_98 = arith.constant 0 : i32
      %dma_wait3A_99 = tpu.memref_slice %arg5[%mul3A_2, %dma_wait3A_98] : memref<10240x128xf32, #tpu.memory_space<hbm>> -> memref<640x128xf32, #tpu.memory_space<hbm>>
      tpu.wait_dma2 semaphore(%run_scoped3A : memref<!tpu.dma_semaphore, #tpu.memory_space<semaphore_mem>>) src(%dma_wait3A_99 : memref<640x128xf32, #tpu.memory_space<hbm>>) dst(%dma_wait3A_97 : memref<640x128xf32, #tpu.memory_space<vmem_shared>>)
      tpu.yield
    }) : () -> ()
    %barrier3A = arith.constant 0 : index
    tpu.barrier barrier_id(%barrier3A)
    %dma_start3A = arith.constant 0 : i32
    %dma_start3A_5 = tpu.memref_slice %arg7[%dma_start3A] : memref<10000xi32, #tpu.memory_space<vmem>> -> memref<80xi32, #tpu.memory_space<vmem>>
    %dma_start3A_6 = arith.constant 0 : i32
    %dma_start3A_7 = arith.constant 0 : i32
    %dma_start3A_8 = tpu.memref_slice %arg2[%dma_start3A_6, %dma_start3A_7] : memref<10240x128xf32, #tpu.memory_space<hbm>> -> memref<10240x128xf32, #tpu.memory_space<hbm>>
    tpu.enqueue_indirect_dma source(%dma_start3A_8 : memref<10240x128xf32, #tpu.memory_space<hbm>>) target(%arg9 : memref<80x128xf32, #tpu.memory_space<vmem>>) offsets(%dma_start3A_5 : memref<80xi32, #tpu.memory_space<vmem>>) semaphore(%arg12 : memref<!tpu.dma_semaphore, #tpu.memory_space<semaphore_mem>>)
    %dma_start3A_9 = arith.constant 80 : i32
    %dma_start3A_10 = tpu.memref_slice %arg7[%dma_start3A_9] : memref<10000xi32, #tpu.memory_space<vmem>> -> memref<80xi32, #tpu.memory_space<vmem>>
    %dma_start3A_11 = arith.constant 0 : i32
    %dma_start3A_12 = arith.constant 0 : i32
    %dma_start3A_13 = tpu.memref_slice %arg2[%dma_start3A_11, %dma_start3A_12] : memref<10240x128xf32, #tpu.memory_space<hbm>> -> memref<10240x128xf32, #tpu.memory_space<hbm>>
    tpu.enqueue_indirect_dma source(%dma_start3A_13 : memref<10240x128xf32, #tpu.memory_space<hbm>>) target(%arg10 : memref<80x128xf32, #tpu.memory_space<vmem>>) offsets(%dma_start3A_10 : memref<80xi32, #tpu.memory_space<vmem>>) semaphore(%arg13 : memref<!tpu.dma_semaphore, #tpu.memory_space<semaphore_mem>>)
    %scan3A = arith.constant 0 : i32
    %scan3A_14 = arith.constant 0 : i32
    %scan3A_15 = arith.constant 61 : i32
    %scan3A_16 = arith.addi %scan3A_14, %scan3A_15 : i32
    %scan3A_17 = arith.constant 1 : i32
    %scan3A_18 = scf.for %scan3A_92 = %scan3A_14 to %scan3A_16 step %scan3A_17 iter_args(%scan3A_93 = %scan3A) -> (i32)  : i32 {
      %mul3A_94 = arith.constant 2 : i32
      %mul3A_95 = arith.muli %mul3A_94, %scan3A_92 : i32
      %dma_wait3A_96 = arith.constant 0 : i32
      %dma_wait3A_97 = tpu.memref_slice %arg7[%dma_wait3A_96] : memref<10000xi32, #tpu.memory_space<vmem>> -> memref<80xi32, #tpu.memory_space<vmem>>
      %dma_wait3A_98 = arith.constant 0 : i32
      %dma_wait3A_99 = arith.constant 0 : i32
      %dma_wait3A_100 = tpu.memref_slice %arg2[%dma_wait3A_98, %dma_wait3A_99] : memref<10240x128xf32, #tpu.memory_space<hbm>> -> memref<10240x128xf32, #tpu.memory_space<hbm>>
      tpu.wait_indirect_dma semaphore(%arg12 : memref<!tpu.dma_semaphore, #tpu.memory_space<semaphore_mem>>) src(%dma_wait3A_100 : memref<10240x128xf32, #tpu.memory_space<hbm>>) dst(%arg9 : memref<80x128xf32, #tpu.memory_space<vmem>>)
      %dma_start3A_101 = arith.constant 0 : i32
      %dma_start3A_102 = arith.constant 0 : i32
      %dma_start3A_103 = tpu.memref_slice %arg8[%mul3A_95, %dma_start3A_101, %dma_start3A_102] : memref<125x1x80xi32, #tpu.memory_space<vmem>> -> memref<1x1x80xi32, #tpu.memory_space<vmem>>
      %dma_start3A_104 = tpu.memref_squeeze %dma_start3A_103 : memref<1x1x80xi32, #tpu.memory_space<vmem>> -> memref<80xi32, #tpu.memory_space<vmem>>
      %dma_start3A_105 = arith.constant 0 : i32
      %dma_start3A_106 = arith.constant 0 : i32
      %dma_start3A_107 = tpu.memref_slice %arg11[%dma_start3A_105, %dma_start3A_106] : memref<10240x128xf32, #tpu.memory_space<vmem_shared>> -> memref<10240x128xf32, #tpu.memory_space<vmem_shared>>
      tpu.enqueue_indirect_dma source(%arg9 : memref<80x128xf32, #tpu.memory_space<vmem>>) target(%dma_start3A_107 : memref<10240x128xf32, #tpu.memory_space<vmem_shared>>) offsets(%dma_start3A_104 : memref<80xi32, #tpu.memory_space<vmem>>) semaphore(%arg14 : memref<!tpu.dma_semaphore, #tpu.memory_space<semaphore_mem>>) {add = true}
      %dma_wait3A_108 = arith.constant 0 : i32
      %dma_wait3A_109 = arith.constant 0 : i32
      %dma_wait3A_110 = arith.constant 0 : i32
      %dma_wait3A_111 = tpu.memref_slice %arg8[%dma_wait3A_108, %dma_wait3A_109, %dma_wait3A_110] : memref<125x1x80xi32, #tpu.memory_space<vmem>> -> memref<1x1x80xi32, #tpu.memory_space<vmem>>
      %dma_wait3A_112 = tpu.memref_squeeze %dma_wait3A_111 : memref<1x1x80xi32, #tpu.memory_space<vmem>> -> memref<80xi32, #tpu.memory_space<vmem>>
      %dma_wait3A_113 = arith.constant 0 : i32
      %dma_wait3A_114 = arith.constant 0 : i32
      %dma_wait3A_115 = tpu.memref_slice %arg11[%dma_wait3A_113, %dma_wait3A_114] : memref<10240x128xf32, #tpu.memory_space<vmem_shared>> -> memref<10240x128xf32, #tpu.memory_space<vmem_shared>>
      tpu.wait_indirect_dma semaphore(%arg14 : memref<!tpu.dma_semaphore, #tpu.memory_space<semaphore_mem>>) src(%arg9 : memref<80x128xf32, #tpu.memory_space<vmem>>) dst(%dma_wait3A_115 : memref<10240x128xf32, #tpu.memory_space<vmem_shared>>)
      %add3A_116 = arith.constant 2 : i32
      %add3A_117 = arith.addi %mul3A_95, %add3A_116 : i32
      %mul3A_118 = arith.constant 80 : i32
      %mul3A_119 = arith.muli %add3A_117, %mul3A_118 : i32
      %dma_start3A_120 = tpu.memref_slice %arg7[%mul3A_119] : memref<10000xi32, #tpu.memory_space<vmem>> -> memref<80xi32, #tpu.memory_space<vmem>>
      %dma_start3A_121 = arith.constant 0 : i32
      %dma_start3A_122 = arith.constant 0 : i32
      %dma_start3A_123 = tpu.memref_slice %arg2[%dma_start3A_121, %dma_start3A_122] : memref<10240x128xf32, #tpu.memory_space<hbm>> -> memref<10240x128xf32, #tpu.memory_space<hbm>>
      tpu.enqueue_indirect_dma source(%dma_start3A_123 : memref<10240x128xf32, #tpu.memory_space<hbm>>) target(%arg9 : memref<80x128xf32, #tpu.memory_space<vmem>>) offsets(%dma_start3A_120 : memref<80xi32, #tpu.memory_space<vmem>>) semaphore(%arg12 : memref<!tpu.dma_semaphore, #tpu.memory_space<semaphore_mem>>)
      %dma_wait3A_124 = arith.constant 0 : i32
      %dma_wait3A_125 = tpu.memref_slice %arg7[%dma_wait3A_124] : memref<10000xi32, #tpu.memory_space<vmem>> -> memref<80xi32, #tpu.memory_space<vmem>>
      %dma_wait3A_126 = arith.constant 0 : i32
      %dma_wait3A_127 = arith.constant 0 : i32
      %dma_wait3A_128 = tpu.memref_slice %arg2[%dma_wait3A_126, %dma_wait3A_127] : memref<10240x128xf32, #tpu.memory_space<hbm>> -> memref<10240x128xf32, #tpu.memory_space<hbm>>
      tpu.wait_indirect_dma semaphore(%arg13 : memref<!tpu.dma_semaphore, #tpu.memory_space<semaphore_mem>>) src(%dma_wait3A_128 : memref<10240x128xf32, #tpu.memory_space<hbm>>) dst(%arg10 : memref<80x128xf32, #tpu.memory_space<vmem>>)
      %add3A_129 = arith.constant 1 : i32
      %add3A_130 = arith.addi %mul3A_95, %add3A_129 : i32
      %dma_start3A_131 = arith.constant 0 : i32
      %dma_start3A_132 = arith.constant 0 : i32
      %dma_start3A_133 = tpu.memref_slice %arg8[%add3A_130, %dma_start3A_131, %dma_start3A_132] : memref<125x1x80xi32, #tpu.memory_space<vmem>> -> memref<1x1x80xi32, #tpu.memory_space<vmem>>
      %dma_start3A_134 = tpu.memref_squeeze %dma_start3A_133 : memref<1x1x80xi32, #tpu.memory_space<vmem>> -> memref<80xi32, #tpu.memory_space<vmem>>
      %dma_start3A_135 = arith.constant 0 : i32
      %dma_start3A_136 = arith.constant 0 : i32
      %dma_start3A_137 = tpu.memref_slice %arg11[%dma_start3A_135, %dma_start3A_136] : memref<10240x128xf32, #tpu.memory_space<vmem_shared>> -> memref<10240x128xf32, #tpu.memory_space<vmem_shared>>
      tpu.enqueue_indirect_dma source(%arg10 : memref<80x128xf32, #tpu.memory_space<vmem>>) target(%dma_start3A_137 : memref<10240x128xf32, #tpu.memory_space<vmem_shared>>) offsets(%dma_start3A_134 : memref<80xi32, #tpu.memory_space<vmem>>) semaphore(%arg15 : memref<!tpu.dma_semaphore, #tpu.memory_space<semaphore_mem>>) {add = true}
      %dma_wait3A_138 = arith.constant 0 : i32
      %dma_wait3A_139 = arith.constant 0 : i32
      %dma_wait3A_140 = arith.constant 0 : i32
      %dma_wait3A_141 = tpu.memref_slice %arg8[%dma_wait3A_138, %dma_wait3A_139, %dma_wait3A_140] : memref<125x1x80xi32, #tpu.memory_space<vmem>> -> memref<1x1x80xi32, #tpu.memory_space<vmem>>
      %dma_wait3A_142 = tpu.memref_squeeze %dma_wait3A_141 : memref<1x1x80xi32, #tpu.memory_space<vmem>> -> memref<80xi32, #tpu.memory_space<vmem>>
      %dma_wait3A_143 = arith.constant 0 : i32
      %dma_wait3A_144 = arith.constant 0 : i32
      %dma_wait3A_145 = tpu.memref_slice %arg11[%dma_wait3A_143, %dma_wait3A_144] : memref<10240x128xf32, #tpu.memory_space<vmem_shared>> -> memref<10240x128xf32, #tpu.memory_space<vmem_shared>>
      tpu.wait_indirect_dma semaphore(%arg15 : memref<!tpu.dma_semaphore, #tpu.memory_space<semaphore_mem>>) src(%arg10 : memref<80x128xf32, #tpu.memory_space<vmem>>) dst(%dma_wait3A_145 : memref<10240x128xf32, #tpu.memory_space<vmem_shared>>)
      %add3A_146 = arith.constant 3 : i32
      %add3A_147 = arith.addi %mul3A_95, %add3A_146 : i32
      %mul3A_148 = arith.constant 80 : i32
      %mul3A_149 = arith.muli %add3A_147, %mul3A_148 : i32
      %dma_start3A_150 = tpu.memref_slice %arg7[%mul3A_149] : memref<10000xi32, #tpu.memory_space<vmem>> -> memref<80xi32, #tpu.memory_space<vmem>>
      %dma_start3A_151 = arith.constant 0 : i32
      %dma_start3A_152 = arith.constant 0 : i32
      %dma_start3A_153 = tpu.memref_slice %arg2[%dma_start3A_151, %dma_start3A_152] : memref<10240x128xf32, #tpu.memory_space<hbm>> -> memref<10240x128xf32, #tpu.memory_space<hbm>>
      tpu.enqueue_indirect_dma source(%dma_start3A_153 : memref<10240x128xf32, #tpu.memory_space<hbm>>) target(%arg10 : memref<80x128xf32, #tpu.memory_space<vmem>>) offsets(%dma_start3A_150 : memref<80xi32, #tpu.memory_space<vmem>>) semaphore(%arg13 : memref<!tpu.dma_semaphore, #tpu.memory_space<semaphore_mem>>)
      %scan3A_154 = arith.constant 0 : i32
      scf.yield %scan3A_154 : i32
    }
    %scan3A_19 = arith.constant 61 : i32
    %dma_wait3A = arith.constant 0 : i32
    %dma_wait3A_20 = tpu.memref_slice %arg7[%dma_wait3A] : memref<10000xi32, #tpu.memory_space<vmem>> -> memref<80xi32, #tpu.memory_space<vmem>>
    %dma_wait3A_21 = arith.constant 0 : i32
    %dma_wait3A_22 = arith.constant 0 : i32
    %dma_wait3A_23 = tpu.memref_slice %arg2[%dma_wait3A_21, %dma_wait3A_22] : memref<10240x128xf32, #tpu.memory_space<hbm>> -> memref<10240x128xf32, #tpu.memory_space<hbm>>
    tpu.wait_indirect_dma semaphore(%arg12 : memref<!tpu.dma_semaphore, #tpu.memory_space<semaphore_mem>>) src(%dma_wait3A_23 : memref<10240x128xf32, #tpu.memory_space<hbm>>) dst(%arg9 : memref<80x128xf32, #tpu.memory_space<vmem>>)
    %dma_start3A_24 = arith.constant 122 : i32
    %dma_start3A_25 = arith.constant 0 : i32
    %dma_start3A_26 = arith.constant 0 : i32
    %dma_start3A_27 = tpu.memref_slice %arg8[%dma_start3A_24, %dma_start3A_25, %dma_start3A_26] : memref<125x1x80xi32, #tpu.memory_space<vmem>> -> memref<1x1x80xi32, #tpu.memory_space<vmem>>
    %dma_start3A_28 = tpu.memref_squeeze %dma_start3A_27 : memref<1x1x80xi32, #tpu.memory_space<vmem>> -> memref<80xi32, #tpu.memory_space<vmem>>
    %dma_start3A_29 = arith.constant 0 : i32
    %dma_start3A_30 = arith.constant 0 : i32
    %dma_start3A_31 = tpu.memref_slice %arg11[%dma_start3A_29, %dma_start3A_30] : memref<10240x128xf32, #tpu.memory_space<vmem_shared>> -> memref<10240x128xf32, #tpu.memory_space<vmem_shared>>
    tpu.enqueue_indirect_dma source(%arg9 : memref<80x128xf32, #tpu.memory_space<vmem>>) target(%dma_start3A_31 : memref<10240x128xf32, #tpu.memory_space<vmem_shared>>) offsets(%dma_start3A_28 : memref<80xi32, #tpu.memory_space<vmem>>) semaphore(%arg14 : memref<!tpu.dma_semaphore, #tpu.memory_space<semaphore_mem>>) {add = true}
    %dma_wait3A_32 = arith.constant 0 : i32
    %dma_wait3A_33 = arith.constant 0 : i32
    %dma_wait3A_34 = arith.constant 0 : i32
    %dma_wait3A_35 = tpu.memref_slice %arg8[%dma_wait3A_32, %dma_wait3A_33, %dma_wait3A_34] : memref<125x1x80xi32, #tpu.memory_space<vmem>> -> memref<1x1x80xi32, #tpu.memory_space<vmem>>
    %dma_wait3A_36 = tpu.memref_squeeze %dma_wait3A_35 : memref<1x1x80xi32, #tpu.memory_space<vmem>> -> memref<80xi32, #tpu.memory_space<vmem>>
    %dma_wait3A_37 = arith.constant 0 : i32
    %dma_wait3A_38 = arith.constant 0 : i32
    %dma_wait3A_39 = tpu.memref_slice %arg11[%dma_wait3A_37, %dma_wait3A_38] : memref<10240x128xf32, #tpu.memory_space<vmem_shared>> -> memref<10240x128xf32, #tpu.memory_space<vmem_shared>>
    tpu.wait_indirect_dma semaphore(%arg14 : memref<!tpu.dma_semaphore, #tpu.memory_space<semaphore_mem>>) src(%arg9 : memref<80x128xf32, #tpu.memory_space<vmem>>) dst(%dma_wait3A_39 : memref<10240x128xf32, #tpu.memory_space<vmem_shared>>)
    %dma_start3A_40 = arith.constant 9920 : i32
    %dma_start3A_41 = tpu.memref_slice %arg7[%dma_start3A_40] : memref<10000xi32, #tpu.memory_space<vmem>> -> memref<80xi32, #tpu.memory_space<vmem>>
    %dma_start3A_42 = arith.constant 0 : i32
    %dma_start3A_43 = arith.constant 0 : i32
    %dma_start3A_44 = tpu.memref_slice %arg2[%dma_start3A_42, %dma_start3A_43] : memref<10240x128xf32, #tpu.memory_space<hbm>> -> memref<10240x128xf32, #tpu.memory_space<hbm>>
    tpu.enqueue_indirect_dma source(%dma_start3A_44 : memref<10240x128xf32, #tpu.memory_space<hbm>>) target(%arg9 : memref<80x128xf32, #tpu.memory_space<vmem>>) offsets(%dma_start3A_41 : memref<80xi32, #tpu.memory_space<vmem>>) semaphore(%arg12 : memref<!tpu.dma_semaphore, #tpu.memory_space<semaphore_mem>>)
    %dma_wait3A_45 = arith.constant 0 : i32
    %dma_wait3A_46 = tpu.memref_slice %arg7[%dma_wait3A_45] : memref<10000xi32, #tpu.memory_space<vmem>> -> memref<80xi32, #tpu.memory_space<vmem>>
    %dma_wait3A_47 = arith.constant 0 : i32
    %dma_wait3A_48 = arith.constant 0 : i32
    %dma_wait3A_49 = tpu.memref_slice %arg2[%dma_wait3A_47, %dma_wait3A_48] : memref<10240x128xf32, #tpu.memory_space<hbm>> -> memref<10240x128xf32, #tpu.memory_space<hbm>>
    tpu.wait_indirect_dma semaphore(%arg13 : memref<!tpu.dma_semaphore, #tpu.memory_space<semaphore_mem>>) src(%dma_wait3A_49 : memref<10240x128xf32, #tpu.memory_space<hbm>>) dst(%arg10 : memref<80x128xf32, #tpu.memory_space<vmem>>)
    %dma_start3A_50 = arith.constant 123 : i32
    %dma_start3A_51 = arith.constant 0 : i32
    %dma_start3A_52 = arith.constant 0 : i32
    %dma_start3A_53 = tpu.memref_slice %arg8[%dma_start3A_50, %dma_start3A_51, %dma_start3A_52] : memref<125x1x80xi32, #tpu.memory_space<vmem>> -> memref<1x1x80xi32, #tpu.memory_space<vmem>>
    %dma_start3A_54 = tpu.memref_squeeze %dma_start3A_53 : memref<1x1x80xi32, #tpu.memory_space<vmem>> -> memref<80xi32, #tpu.memory_space<vmem>>
    %dma_start3A_55 = arith.constant 0 : i32
    %dma_start3A_56 = arith.constant 0 : i32
    %dma_start3A_57 = tpu.memref_slice %arg11[%dma_start3A_55, %dma_start3A_56] : memref<10240x128xf32, #tpu.memory_space<vmem_shared>> -> memref<10240x128xf32, #tpu.memory_space<vmem_shared>>
    tpu.enqueue_indirect_dma source(%arg10 : memref<80x128xf32, #tpu.memory_space<vmem>>) target(%dma_start3A_57 : memref<10240x128xf32, #tpu.memory_space<vmem_shared>>) offsets(%dma_start3A_54 : memref<80xi32, #tpu.memory_space<vmem>>) semaphore(%arg15 : memref<!tpu.dma_semaphore, #tpu.memory_space<semaphore_mem>>) {add = true}
    %dma_wait3A_58 = arith.constant 0 : i32
    %dma_wait3A_59 = arith.constant 0 : i32
    %dma_wait3A_60 = arith.constant 0 : i32
    %dma_wait3A_61 = tpu.memref_slice %arg8[%dma_wait3A_58, %dma_wait3A_59, %dma_wait3A_60] : memref<125x1x80xi32, #tpu.memory_space<vmem>> -> memref<1x1x80xi32, #tpu.memory_space<vmem>>
    %dma_wait3A_62 = tpu.memref_squeeze %dma_wait3A_61 : memref<1x1x80xi32, #tpu.memory_space<vmem>> -> memref<80xi32, #tpu.memory_space<vmem>>
    %dma_wait3A_63 = arith.constant 0 : i32
    %dma_wait3A_64 = arith.constant 0 : i32
    %dma_wait3A_65 = tpu.memref_slice %arg11[%dma_wait3A_63, %dma_wait3A_64] : memref<10240x128xf32, #tpu.memory_space<vmem_shared>> -> memref<10240x128xf32, #tpu.memory_space<vmem_shared>>
    tpu.wait_indirect_dma semaphore(%arg15 : memref<!tpu.dma_semaphore, #tpu.memory_space<semaphore_mem>>) src(%arg10 : memref<80x128xf32, #tpu.memory_space<vmem>>) dst(%dma_wait3A_65 : memref<10240x128xf32, #tpu.memory_space<vmem_shared>>)
    %dma_wait3A_66 = arith.constant 0 : i32
    %dma_wait3A_67 = tpu.memref_slice %arg7[%dma_wait3A_66] : memref<10000xi32, #tpu.memory_space<vmem>> -> memref<80xi32, #tpu.memory_space<vmem>>
    %dma_wait3A_68 = arith.constant 0 : i32
    %dma_wait3A_69 = arith.constant 0 : i32
    %dma_wait3A_70 = tpu.memref_slice %arg2[%dma_wait3A_68, %dma_wait3A_69] : memref<10240x128xf32, #tpu.memory_space<hbm>> -> memref<10240x128xf32, #tpu.memory_space<hbm>>
    tpu.wait_indirect_dma semaphore(%arg12 : memref<!tpu.dma_semaphore, #tpu.memory_space<semaphore_mem>>) src(%dma_wait3A_70 : memref<10240x128xf32, #tpu.memory_space<hbm>>) dst(%arg9 : memref<80x128xf32, #tpu.memory_space<vmem>>)
    %dma_start3A_71 = arith.constant 124 : i32
    %dma_start3A_72 = arith.constant 0 : i32
    %dma_start3A_73 = arith.constant 0 : i32
    %dma_start3A_74 = tpu.memref_slice %arg8[%dma_start3A_71, %dma_start3A_72, %dma_start3A_73] : memref<125x1x80xi32, #tpu.memory_space<vmem>> -> memref<1x1x80xi32, #tpu.memory_space<vmem>>
    %dma_start3A_75 = tpu.memref_squeeze %dma_start3A_74 : memref<1x1x80xi32, #tpu.memory_space<vmem>> -> memref<80xi32, #tpu.memory_space<vmem>>
    %dma_start3A_76 = arith.constant 0 : i32
    %dma_start3A_77 = arith.constant 0 : i32
    %dma_start3A_78 = tpu.memref_slice %arg11[%dma_start3A_76, %dma_start3A_77] : memref<10240x128xf32, #tpu.memory_space<vmem_shared>> -> memref<10240x128xf32, #tpu.memory_space<vmem_shared>>
    tpu.enqueue_indirect_dma source(%arg9 : memref<80x128xf32, #tpu.memory_space<vmem>>) target(%dma_start3A_78 : memref<10240x128xf32, #tpu.memory_space<vmem_shared>>) offsets(%dma_start3A_75 : memref<80xi32, #tpu.memory_space<vmem>>) semaphore(%arg14 : memref<!tpu.dma_semaphore, #tpu.memory_space<semaphore_mem>>) {add = true}
    %dma_wait3A_79 = arith.constant 0 : i32
    %dma_wait3A_80 = arith.constant 0 : i32
    %dma_wait3A_81 = arith.constant 0 : i32
    %dma_wait3A_82 = tpu.memref_slice %arg8[%dma_wait3A_79, %dma_wait3A_80, %dma_wait3A_81] : memref<125x1x80xi32, #tpu.memory_space<vmem>> -> memref<1x1x80xi32, #tpu.memory_space<vmem>>
    %dma_wait3A_83 = tpu.memref_squeeze %dma_wait3A_82 : memref<1x1x80xi32, #tpu.memory_space<vmem>> -> memref<80xi32, #tpu.memory_space<vmem>>
    %dma_wait3A_84 = arith.constant 0 : i32
    %dma_wait3A_85 = arith.constant 0 : i32
    %dma_wait3A_86 = tpu.memref_slice %arg11[%dma_wait3A_84, %dma_wait3A_85] : memref<10240x128xf32, #tpu.memory_space<vmem_shared>> -> memref<10240x128xf32, #tpu.memory_space<vmem_shared>>
    tpu.wait_indirect_dma semaphore(%arg14 : memref<!tpu.dma_semaphore, #tpu.memory_space<semaphore_mem>>) src(%arg9 : memref<80x128xf32, #tpu.memory_space<vmem>>) dst(%dma_wait3A_86 : memref<10240x128xf32, #tpu.memory_space<vmem_shared>>)
    %barrier3A_87 = arith.constant 0 : index
    tpu.barrier barrier_id(%barrier3A_87)
    %mul3A_88 = arith.constant 640 : i32
    %mul3A_89 = arith.muli %arg1, %mul3A_88 : i32
    %mul3A_90 = arith.constant 640 : i32
    %mul3A_91 = arith.muli %arg1, %mul3A_90 : i32
    "tpu.region"() ({
      %run_scoped3A = tpu.sem_alloc : memref<!tpu.dma_semaphore, #tpu.memory_space<semaphore_mem>>
      %dma_start3A_92 = arith.constant 0 : i32
      %dma_start3A_93 = tpu.memref_slice %arg6[%arg0, %mul3A_91, %dma_start3A_92] : memref<2x10240x128xf32, #tpu.memory_space<hbm>> -> memref<1x640x128xf32, #tpu.memory_space<hbm>>
      %dma_start3A_94 = tpu.memref_squeeze %dma_start3A_93 : memref<1x640x128xf32, #tpu.memory_space<hbm>> -> memref<640x128xf32, #tpu.memory_space<hbm>>
      %dma_start3A_95 = arith.constant 0 : i32
      %dma_start3A_96 = tpu.memref_slice %arg11[%mul3A_89, %dma_start3A_95] : memref<10240x128xf32, #tpu.memory_space<vmem_shared>> -> memref<640x128xf32, #tpu.memory_space<vmem_shared>>
      tpu.enqueue_dma source(%dma_start3A_96 : memref<640x128xf32, #tpu.memory_space<vmem_shared>>) target(%dma_start3A_94 : memref<640x128xf32, #tpu.memory_space<hbm>>) target_semaphore(%run_scoped3A : memref<!tpu.dma_semaphore, #tpu.memory_space<semaphore_mem>>)
      %dma_wait3A_97 = arith.constant 0 : i32
      %dma_wait3A_98 = tpu.memref_slice %arg6[%arg0, %mul3A_91, %dma_wait3A_97] : memref<2x10240x128xf32, #tpu.memory_space<hbm>> -> memref<1x640x128xf32, #tpu.memory_space<hbm>>
      %dma_wait3A_99 = tpu.memref_squeeze %dma_wait3A_98 : memref<1x640x128xf32, #tpu.memory_space<hbm>> -> memref<640x128xf32, #tpu.memory_space<hbm>>
      %dma_wait3A_100 = arith.constant 0 : i32
      %dma_wait3A_101 = tpu.memref_slice %arg11[%mul3A_89, %dma_wait3A_100] : memref<10240x128xf32, #tpu.memory_space<vmem_shared>> -> memref<640x128xf32, #tpu.memory_space<vmem_shared>>
      tpu.wait_dma2 semaphore(%run_scoped3A : memref<!tpu.dma_semaphore, #tpu.memory_space<semaphore_mem>>) src(%dma_wait3A_101 : memref<640x128xf32, #tpu.memory_space<vmem_shared>>) dst(%dma_wait3A_99 : memref<640x128xf32, #tpu.memory_space<hbm>>)
      tpu.yield
    }) : () -> ()
    return
  }
}

module attributes {stable_mosaic.version = 14 : i64} {
  func.func @_scale_body(%arg0: i32, %arg1: memref<2048x128xf32, #tpu.memory_space<vmem>>, %arg2: memref<2048x128xf32, #tpu.memory_space<vmem>>, %arg3: memref<2048x128xf32, #tpu.memory_space<vmem>>, %arg4: memref<2048x128xf32, #tpu.memory_space<vmem>>) attributes {dimension_semantics = [#tpu.dimension_semantics<arbitrary>], iteration_bounds = array<i64: 5>, scalar_prefetch = 0 : i64, scratch_operands = 0 : i64, tpu.core_type = #tpu.core_type<tc>, window_params = [{transform_indices = @transform_0, window_bounds = array<i64: 2048, 128>}, {transform_indices = @transform_1, window_bounds = array<i64: 2048, 128>}, {transform_indices = @transform_2, window_bounds = array<i64: 2048, 128>}, {transform_indices = @transform_3, window_bounds = array<i64: 2048, 128>}]} {
    %get3A = arith.constant 0 : index
    %get3A_0 = arith.constant 0 : index
    %get3A_1 = vector.load %arg1[%get3A, %get3A_0] : memref<2048x128xf32, #tpu.memory_space<vmem>>, vector<2048x128xf32>
    %slice3A = vector.extract_strided_slice %get3A_1 {offsets = [0, 0], sizes = [2048, 1], strides = [1, 1]} : vector<2048x128xf32> to vector<2048x1xf32>
    %squeeze3A = vector.shape_cast %slice3A : vector<2048x1xf32> to vector<2048xf32>
    %add3A = arith.constant 1.000000e+00 : f32
    %add3A_2 = vector.broadcast %add3A : f32 to vector<2048xf32>
    %add3A_3 = arith.addf %add3A_2, %squeeze3A : vector<2048xf32>
    %get3A_4 = arith.constant 0 : index
    %get3A_5 = arith.constant 0 : index
    %get3A_6 = vector.load %arg2[%get3A_4, %get3A_5] : memref<2048x128xf32, #tpu.memory_space<vmem>>, vector<2048x128xf32>
    %slice3A_7 = vector.extract_strided_slice %get3A_6 {offsets = [0, 0], sizes = [2048, 1], strides = [1, 1]} : vector<2048x128xf32> to vector<2048x1xf32>
    %squeeze3A_8 = vector.shape_cast %slice3A_7 : vector<2048x1xf32> to vector<2048xf32>
    %add3A_9 = arith.addf %add3A_3, %squeeze3A_8 : vector<2048xf32>
    %sqrt3A = math.sqrt %add3A_9 : vector<2048xf32>
    %div3A = arith.constant 1.000000e+00 : f32
    %div3A_10 = vector.broadcast %div3A : f32 to vector<2048xf32>
    %div3A_11 = arith.divf %div3A_10, %sqrt3A : vector<2048xf32>
    %mul3A = arith.constant 2048 : i32
    %mul3A_12 = arith.muli %arg0, %mul3A : i32
    %iota3A = tpu.iota {dimensions = array<i32: 0>} : vector<2048x1xi32>
    %add3A_13 = vector.broadcast %mul3A_12 : i32 to vector<2048x1xi32>
    %add3A_14 = arith.addi %add3A_13, %iota3A : vector<2048x1xi32>
    %lt3A = arith.constant 10000 : i32
    %lt3A_15 = vector.broadcast %lt3A : i32 to vector<2048x1xi32>
    %lt3A_16 = arith.cmpi slt, %add3A_14, %lt3A_15 : vector<2048x1xi32>
    %get3A_17 = arith.constant 0 : index
    %get3A_18 = arith.constant 0 : index
    %get3A_19 = vector.load %arg3[%get3A_17, %get3A_18] : memref<2048x128xf32, #tpu.memory_space<vmem>>, vector<2048x128xf32>
    %broadcast_in_dim3A = vector.shape_cast %div3A_11 : vector<2048xf32> to vector<2048x1xf32>
    %mul3A_20 = vector.broadcast %broadcast_in_dim3A : vector<2048x1xf32> to vector<2048x128xf32>
    %mul3A_21 = arith.mulf %get3A_19, %mul3A_20 : vector<2048x128xf32>
    %jit3A = arith.constant 0.000000e+00 : f32
    %broadcast_in_dim3A_22 = vector.shape_cast %lt3A_16 : vector<2048x1xi1> to vector<2048x1xi1>
    %broadcast_in_dim3A_23 = vector.broadcast %broadcast_in_dim3A_22 : vector<2048x1xi1> to vector<2048x128xi1>
    %broadcast_in_dim3A_24 = vector.broadcast %jit3A : f32 to vector<2048x128xf32>
    %select_n3A = arith.select %broadcast_in_dim3A_23, %mul3A_21, %broadcast_in_dim3A_24 : vector<2048x128xi1>, vector<2048x128xf32>
    %swap3A = arith.constant 0 : index
    %swap3A_25 = arith.constant 0 : index
    %swap3A_26 = vector.load %arg4[%swap3A, %swap3A_25] : memref<2048x128xf32, #tpu.memory_space<vmem>>, vector<2048x128xf32>
    tpu.vector_store %arg4[%swap3A, %swap3A_25], %select_n3A {strides = array<i32>} : memref<2048x128xf32, #tpu.memory_space<vmem>>, vector<2048x128xf32>,
    return
  }
  func.func @transform_0(%arg0: i32) -> (i32, i32) {
    %c0_i32 = arith.constant 0 : i32
    %c0_i32_0 = arith.constant 0 : i32
    return %arg0, %c0_i32 : i32, i32
  }
  func.func @transform_1(%arg0: i32) -> (i32, i32) {
    %c0_i32 = arith.constant 0 : i32
    %c0_i32_0 = arith.constant 0 : i32
    return %arg0, %c0_i32 : i32, i32
  }
  func.func @transform_2(%arg0: i32) -> (i32, i32) {
    %c0_i32 = arith.constant 0 : i32
    %c0_i32_0 = arith.constant 0 : i32
    return %arg0, %c0_i32 : i32, i32
  }
  func.func @transform_3(%arg0: i32) -> (i32, i32) {
    %c0_i32 = arith.constant 0 : i32
    %c0_i32_0 = arith.constant 0 : i32
    return %arg0, %c0_i32 : i32, i32
  }
}

module attributes {stable_mosaic.version = 14 : i64} {
  func.func @_gru_body(%arg0: i32, %arg1: memref<2048x128xf32, #tpu.memory_space<vmem>>, %arg2: memref<2048x128xf32, #tpu.memory_space<vmem>>, %arg3: memref<2048x128xf32, #tpu.memory_space<vmem>>, %arg4: memref<2048x128xf32, #tpu.memory_space<vmem>>, %arg5: memref<2048x128xf32, #tpu.memory_space<vmem>>, %arg6: memref<128x128xf32, #tpu.memory_space<vmem>>, %arg7: memref<1x128xf32, #tpu.memory_space<vmem>>, %arg8: memref<128x128xf32, #tpu.memory_space<vmem>>, %arg9: memref<1x128xf32, #tpu.memory_space<vmem>>, %arg10: memref<2048x128xf32, #tpu.memory_space<vmem>>) attributes {dimension_semantics = [#tpu.dimension_semantics<arbitrary>], iteration_bounds = array<i64: 5>, scalar_prefetch = 0 : i64, scratch_operands = 0 : i64, tpu.core_type = #tpu.core_type<tc>, window_params = [{transform_indices = @transform_0, window_bounds = array<i64: 2048, 128>}, {transform_indices = @transform_1, window_bounds = array<i64: 2048, 128>}, {transform_indices = @transform_2, window_bounds = array<i64: 2048, 128>}, {transform_indices = @transform_3, window_bounds = array<i64: 2048, 128>}, {transform_indices = @transform_4, window_bounds = array<i64: 2048, 128>}, {pipeline_mode = #tpu.pipeline_mode<synchronous>, transform_indices = @transform_5, window_bounds = array<i64: 128, 128>}, {pipeline_mode = #tpu.pipeline_mode<synchronous>, transform_indices = @transform_6, window_bounds = array<i64: 1, 128>}, {pipeline_mode = #tpu.pipeline_mode<synchronous>, transform_indices = @transform_7, window_bounds = array<i64: 128, 128>}, {pipeline_mode = #tpu.pipeline_mode<synchronous>, transform_indices = @transform_8, window_bounds = array<i64: 1, 128>}, {transform_indices = @transform_9, window_bounds = array<i64: 2048, 128>}]} {
    %get3A = arith.constant 0 : index
    %get3A_0 = arith.constant 0 : index
    %get3A_1 = vector.load %arg1[%get3A, %get3A_0] : memref<2048x128xf32, #tpu.memory_space<vmem>>, vector<2048x128xf32>
    %slice3A = vector.extract_strided_slice %get3A_1 {offsets = [0, 0], sizes = [2048, 1], strides = [1, 1]} : vector<2048x128xf32> to vector<2048x1xf32>
    %squeeze3A = vector.shape_cast %slice3A : vector<2048x1xf32> to vector<2048xf32>
    %add3A = arith.constant 1.000000e+00 : f32
    %add3A_2 = vector.broadcast %add3A : f32 to vector<2048xf32>
    %add3A_3 = arith.addf %add3A_2, %squeeze3A : vector<2048xf32>
    %get3A_4 = arith.constant 0 : index
    %get3A_5 = arith.constant 0 : index
    %get3A_6 = vector.load %arg2[%get3A_4, %get3A_5] : memref<2048x128xf32, #tpu.memory_space<vmem>>, vector<2048x128xf32>
    %slice3A_7 = vector.extract_strided_slice %get3A_6 {offsets = [0, 0], sizes = [2048, 1], strides = [1, 1]} : vector<2048x128xf32> to vector<2048x1xf32>
    %squeeze3A_8 = vector.shape_cast %slice3A_7 : vector<2048x1xf32> to vector<2048xf32>
    %add3A_9 = arith.addf %add3A_3, %squeeze3A_8 : vector<2048xf32>
    %sqrt3A = math.sqrt %add3A_9 : vector<2048xf32>
    %div3A = arith.constant 1.000000e+00 : f32
    %div3A_10 = vector.broadcast %div3A : f32 to vector<2048xf32>
    %div3A_11 = arith.divf %div3A_10, %sqrt3A : vector<2048xf32>
    %get3A_12 = arith.constant 0 : index
    %get3A_13 = arith.constant 0 : index
    %get3A_14 = vector.load %arg3[%get3A_12, %get3A_13] : memref<2048x128xf32, #tpu.memory_space<vmem>>, vector<2048x128xf32>
    %get3A_15 = arith.constant 0 : index
    %get3A_16 = arith.constant 0 : index
    %get3A_17 = vector.load %arg4[%get3A_15, %get3A_16] : memref<2048x128xf32, #tpu.memory_space<vmem>>, vector<2048x128xf32>
    %add3A_18 = arith.addf %get3A_14, %get3A_17 : vector<2048x128xf32>
    %get3A_19 = arith.constant 0 : index
    %get3A_20 = arith.constant 0 : index
    %get3A_21 = vector.load %arg5[%get3A_19, %get3A_20] : memref<2048x128xf32, #tpu.memory_space<vmem>>, vector<2048x128xf32>
    %add3A_22 = arith.addf %add3A_18, %get3A_21 : vector<2048x128xf32>
    %broadcast_in_dim3A = vector.shape_cast %div3A_11 : vector<2048xf32> to vector<2048x1xf32>
    %mul3A = vector.broadcast %broadcast_in_dim3A : vector<2048x1xf32> to vector<2048x128xf32>
    %mul3A_23 = arith.mulf %add3A_22, %mul3A : vector<2048x128xf32>
    %get3A_24 = arith.constant 0 : index
    %get3A_25 = arith.constant 0 : index
    %get3A_26 = vector.load %arg6[%get3A_24, %get3A_25] : memref<128x128xf32, #tpu.memory_space<vmem>>, vector<128x128xf32>
    %dot_general3A = arith.constant dense<0.000000e+00> : vector<2048x128xf32>
    %dot_general3A_27 = tpu.matmul %mul3A_23, %get3A_26, %dot_general3A {dimension_numbers = #tpu.dot_dimension_numbers<[1], [0], [0], [1], [0, 0, 1, 1], [], []>, transpose_lhs_hint = false} : vector<2048x128xf32>, vector<128x128xf32>, vector<2048x128xf32> -> vector<2048x128xf32>
    %get3A_28 = arith.constant 0 : index
    %get3A_29 = arith.constant 0 : index
    %get3A_30 = vector.load %arg7[%get3A_28, %get3A_29] : memref<1x128xf32, #tpu.memory_space<vmem>>, vector<1x128xf32>
    %add3A_31 = vector.broadcast %get3A_30 : vector<1x128xf32> to vector<2048x128xf32>
    %add3A_32 = arith.addf %dot_general3A_27, %add3A_31 : vector<2048x128xf32>
    %logistic3A = arith.negf %add3A_32 : vector<2048x128xf32>
    %logistic3A_33 = math.exp %logistic3A : vector<2048x128xf32>
    %logistic3A_34 = arith.constant 1.000000e+00 : f32
    %logistic3A_35 = vector.broadcast %logistic3A_34 : f32 to vector<2048x128xf32>
    %logistic3A_36 = arith.addf %logistic3A_35, %logistic3A_33 : vector<2048x128xf32>
    %logistic3A_37 = arith.divf %logistic3A_35, %logistic3A_36 : vector<2048x128xf32>
    %get3A_38 = arith.constant 0 : index
    %get3A_39 = arith.constant 0 : index
    %get3A_40 = vector.load %arg8[%get3A_38, %get3A_39] : memref<128x128xf32, #tpu.memory_space<vmem>>, vector<128x128xf32>
    %dot_general3A_41 = arith.constant dense<0.000000e+00> : vector<2048x128xf32>
    %dot_general3A_42 = tpu.matmul %mul3A_23, %get3A_40, %dot_general3A_41 {dimension_numbers = #tpu.dot_dimension_numbers<[1], [0], [0], [1], [0, 0, 1, 1], [], []>, transpose_lhs_hint = false} : vector<2048x128xf32>, vector<128x128xf32>, vector<2048x128xf32> -> vector<2048x128xf32>
    %get3A_43 = arith.constant 0 : index
    %get3A_44 = arith.constant 0 : index
    %get3A_45 = vector.load %arg9[%get3A_43, %get3A_44] : memref<1x128xf32, #tpu.memory_space<vmem>>, vector<1x128xf32>
    %add3A_46 = vector.broadcast %get3A_45 : vector<1x128xf32> to vector<2048x128xf32>
    %add3A_47 = arith.addf %dot_general3A_42, %add3A_46 : vector<2048x128xf32>
    %tanh3A = math.tanh %add3A_47 : vector<2048x128xf32>
    %sub3A = arith.constant 1.000000e+00 : f32
    %sub3A_48 = vector.broadcast %sub3A : f32 to vector<2048x128xf32>
    %sub3A_49 = arith.subf %sub3A_48, %logistic3A_37 : vector<2048x128xf32>
    %mul3A_50 = arith.mulf %sub3A_49, %tanh3A : vector<2048x128xf32>
    %swap3A = arith.constant 0 : index
    %swap3A_51 = arith.constant 0 : index
    %swap3A_52 = vector.load %arg10[%swap3A, %swap3A_51] : memref<2048x128xf32, #tpu.memory_space<vmem>>, vector<2048x128xf32>
    tpu.vector_store %arg10[%swap3A, %swap3A_51], %mul3A_50 {strides = array<i32>} : memref<2048x128xf32, #tpu.memory_space<vmem>>, vector<2048x128xf32>,
    return
  }
  func.func @transform_0(%arg0: i32) -> (i32, i32) {
    %c0_i32 = arith.constant 0 : i32
    %c0_i32_0 = arith.constant 0 : i32
    return %arg0, %c0_i32 : i32, i32
  }
  func.func @transform_1(%arg0: i32) -> (i32, i32) {
    %c0_i32 = arith.constant 0 : i32
    %c0_i32_0 = arith.constant 0 : i32
    return %arg0, %c0_i32 : i32, i32
  }
  func.func @transform_2(%arg0: i32) -> (i32, i32) {
    %c0_i32 = arith.constant 0 : i32
    %c0_i32_0 = arith.constant 0 : i32
    return %arg0, %c0_i32 : i32, i32
  }
  func.func @transform_3(%arg0: i32) -> (i32, i32) {
    %c0_i32 = arith.constant 0 : i32
    %c0_i32_0 = arith.constant 0 : i32
    return %arg0, %c0_i32 : i32, i32
  }
  func.func @transform_4(%arg0: i32) -> (i32, i32) {
    %c0_i32 = arith.constant 0 : i32
    %c0_i32_0 = arith.constant 0 : i32
    return %arg0, %c0_i32 : i32, i32
  }
  func.func @transform_5(%arg0: i32) -> (i32, i32) {
    %c0_i32 = arith.constant 0 : i32
    %c0_i32_0 = arith.constant 0 : i32
    %c0_i32_1 = arith.constant 0 : i32
    return %c0_i32, %c0_i32_0 : i32, i32
  }
  func.func @transform_6(%arg0: i32) -> (i32, i32) {
    %c0_i32 = arith.constant 0 : i32
    %c0_i32_0 = arith.constant 0 : i32
    %c0_i32_1 = arith.constant 0 : i32
    return %c0_i32, %c0_i32_0 : i32, i32
  }
  func.func @transform_7(%arg0: i32) -> (i32, i32) {
    %c0_i32 = arith.constant 0 : i32
    %c0_i32_0 = arith.constant 0 : i32
    %c0_i32_1 = arith.constant 0 : i32
    return %c0_i32, %c0_i32_0 : i32, i32
  }
  func.func @transform_8(%arg0: i32) -> (i32, i32) {
    %c0_i32 = arith.constant 0 : i32
    %c0_i32_0 = arith.constant 0 : i32
    %c0_i32_1 = arith.constant 0 : i32
    return %c0_i32, %c0_i32_0 : i32, i32
  }
  func.func @transform_9(%arg0: i32) -> (i32, i32) {
    %c0_i32 = arith.constant 0 : i32
    %c0_i32_0 = arith.constant 0 : i32
    return %arg0, %c0_i32 : i32, i32
  }
}

</mosaic_0001>

<sc_bundles>
// kernel: kernel.6.cloned.1.call-start
scs
__scs_entry_jumppad:
0x0: {  	(pc) =	sbr.rel $0x88, $3  }
0x1: {  	(tag) =	ssettag $0x0;
	lr =	simm.s32 $0x1  }
0x2: {  	[smem:$0x3F9B] =	sst lr;
	_ =	strace $0xD0000000  }
0x3: {  	_ = 	snop  }
0x4: {  	_ = 	snop  }
0x5: {  	_ = 	snop  }
0x6: {  	_ = 	snop  }
0x7: {  	_ = 	snop  }
__scs_overlays_trampoline_lowered:
0x8: {  	[smem:$0x3FAA] =	sst s0  }
0x9: {  	[smem:$0x3FAB] =	sst s1  }
0xa: {  	[smem:$0x3FAC] =	sst s2  }
0xb: {  	[smem:$0x3FAD] =	sst s3  }
0xc: {  	[smem:$0x3FAE] =	sst s4  }
0xd: {  	[smem:$0x3FAF] =	sst s5  }
0xe: {  	[smem:$0x3FB0] =	sst s6  }
0xf: {  	[smem:$0x3FB1] =	sst s7  }
0x10: {  	[smem:$0x3FB2] =	sst s8  }
0x11: {  	[smem:$0x3FB3] =	sst s9;
	s0 =	simm.s32 @!p0 $0x0  }
0x12: {  	s1 =	sld [smem:$0x3F99];
	s0 =	simm.s32 @p0 $0x1  }
0x13: {  	[smem:$0x3FB4] =	sst s0;
	s0 =	simm.s32 @!p1 $0x0  }
0x14: {  	s2 =	sld [smem:$0x3F98];
	s0 =	simm.s32 @p1 $0x1  }
0x15: {  	[smem:$0x3FB5] =	sst s0;
	s0 =	simm.s32 @!p2 $0x0  }
0x16: {  	s3 =	sld [smem:$0x3FDB];
	s0 =	simm.s32 @p2 $0x1  }
0x17: {  	s4 =	simm.s32 $0x1BF5;
	[smem:$0x3FB7] =	sst s0  }
0x18: {  	s0 =	sld [smem:$0x3F9A];
	_ =	swait.ge [sflag:s4], $0x0  }
0x19: {  	s7 =	sld [smem:$0x3F9B]  }
0x1a: {  	s8 =	sadd.s32 $0xFFFFE003, lr  }
0x1b: {  	s9 =	sadd.s32 $0xFFFFFEF7, lr;
	s5 =	simm.s32 $0xFFFFFFFF;
	p2 =	slt.u32 s8, $0xFFFFF086  }
0x1c: {  	p1 =	slt.u32 s9, $0xF7A;
	s5 =	simm.s32 @!p2 $0x0  }
0x1d: {  	s5 =	simm.s32 @p1 $0x1;
	p0 =	seq.s32 s7, s2  }
0x1e: {  	s7 =	smul.u32 @!p0 $0xF7A, s2;
	p2 =	seq.s32 @!p0 s5, $0x0  }
0x1f: {  	s9 =	smul.u32 $0xF7A, s1;
	s8 =	simm.s32 @!p0 $0x1BF5;
	p2 =	por !p2, p0  }
0x20: {  	[sflag:s8] =	ssyncset.s32 @!p0 $0xFFFFF086;
	s6 =	sadd.s32 @!p0 s3, s7;
	s7 =	simm.s32 @!p0 $0x108  }
0x21: {  	s3 =	sadd.s32 s3, s9;
	s6 =	sadd.s32 @!p0 $0x88, s6;
	s7 =	simm.s32 @p2 $0x1082  }
0x22: {  	[simem:s7], [sflag:s8] =	dma.local @!p0 [hbm:s6], $0xF7A  }
0x23: {  	s9 =	sor.u32 $0xD0000000, s2;
	s6 =	simm.s32 $0x108;
	_ =	swait.ge @!p0 [sflag:s8], $0x0  }
0x24: {  	s3 =	sadd.s32 $0x88, s3;
	s6 =	simm.s32 @!p1 $0x1082;
	[sflag:s4] =	ssyncset.s32 $0xFFFFF086  }
0x25: {  	[simem:s6], [sflag:s4] =	dma.local [hbm:s3], $0xF7A  }
0x26: {  	[smem:$0x3F9B] =	sst s1;
	(tag) =	ssettag s2;
	_ =	strace s9  }
0x27: {  	s1 =	sld [smem:$0x3FAB]  }
0x28: {  	s2 =	sld [smem:$0x3FAC]  }
0x29: {  	s4 =	sld [smem:$0x3FAE]  }
0x2a: {  	p0 =	seq.s32 s5, $0x0;
	s5 =	sld [smem:$0x3FAF]  }
0x2b: {  	s6 =	sld [smem:$0x3FB0]  }
0x2c: {  	s7 =	sld [smem:$0x3FB1]  }
0x2d: {  	s3 =	simm.s32 $0x108;
	s8 =	sld [smem:$0x3FB2]  }
0x2e: {  	s3 =	simm.s32 @!p0 $0x1082;
	s9 =	sld [smem:$0x3FB3]  }
0x2f: {  	lr =	sadd.s32 s0, s3;
	s0 =	sld [smem:$0x3FAA]  }
0x30: {  	s3 =	sld [smem:$0x3FAD]  }
0x31: {  	[smem:$0x3FB6] =	sst s10  }
0x32: {  	s10 =	sld [smem:$0x3FB4];
	_ =	sdelay $0x3  }
0x33: {  	p0 =	seq.s32 s10, $0x1;
	s10 =	sld [smem:$0x3FB6];
	_ =	sdelay $0x3  }
0x34: {  	[smem:$0x3FB6] =	sst s10  }
0x35: {  	s10 =	sld [smem:$0x3FB5];
	_ =	sdelay $0x3  }
0x36: {  	p1 =	seq.s32 s10, $0x1;
	s10 =	sld [smem:$0x3FB6];
	_ =	sdelay $0x3  }
0x37: {  	[smem:$0x3FB6] =	sst s10  }
0x38: {  	s10 =	sld [smem:$0x3FB7]  }
0x39: {  	_ = 	snop;
	(pc) =	sbr.ind lr, $3  }
0x3a: {  	_ = 	snop  }
0x3b: {  	_ = 	snop  }
0x3c: {  	p2 =	seq.s32 s10, $0x1;
	s10 =	sld [smem:$0x3FB6]  }
0x3d: {  	_ =	shalt  }
0x3e: {  	_ =	shalt  }
0x3f: {  	_ =	shalt  }
0x40: {  	_ =	shalt  }
0x41: {  	_ =	shalt  }
0x42: {  	_ =	shalt  }
0x43: {  	_ =	shalt  }
0x44: {  	_ =	shalt  }
0x45: {  	_ =	shalt  }
0x46: {  	_ =	shalt  }
0x47: {  	_ =	shalt  }
0x48: {  	_ =	shalt  }
0x49: {  	_ =	shalt  }
0x4a: {  	_ =	shalt  }
0x4b: {  	_ =	shalt  }
0x4c: {  	_ =	shalt  }
0x4d: {  	_ =	shalt  }
0x4e: {  	_ =	shalt  }
0x4f: {  	_ =	shalt  }
0x50: {  	_ =	shalt  }
0x51: {  	_ =	shalt  }
0x52: {  	_ =	shalt  }
0x53: {  	_ =	shalt  }
0x54: {  	_ =	shalt  }
0x55: {  	_ =	shalt  }
0x56: {  	_ =	shalt  }
0x57: {  	_ =	shalt  }
0x58: {  	_ =	shalt  }
0x59: {  	_ =	shalt  }
0x5a: {  	_ =	shalt  }
0x5b: {  	_ =	shalt  }
0x5c: {  	_ =	shalt  }
0x5d: {  	_ =	shalt  }
0x5e: {  	_ =	shalt  }
0x5f: {  	_ =	shalt  }
0x60: {  	_ =	shalt  }
0x61: {  	_ =	shalt  }
0x62: {  	_ =	shalt  }
0x63: {  	_ =	shalt  }
0x64: {  	_ =	shalt  }
0x65: {  	_ =	shalt  }
0x66: {  	_ =	shalt  }
0x67: {  	_ =	shalt  }
0x68: {  	_ =	shalt  }
0x69: {  	_ =	shalt  }
0x6a: {  	_ =	shalt  }
0x6b: {  	_ =	shalt  }
0x6c: {  	_ =	shalt  }
0x6d: {  	_ =	shalt  }
0x6e: {  	_ =	shalt  }
0x6f: {  	_ =	shalt  }
0x70: {  	_ =	shalt  }
0x71: {  	_ =	shalt  }
0x72: {  	_ =	shalt  }
0x73: {  	_ =	shalt  }
0x74: {  	_ =	shalt  }
0x75: {  	_ =	shalt  }
0x76: {  	_ =	shalt  }
0x77: {  	_ =	shalt  }
0x78: {  	_ =	shalt  }
0x79: {  	_ =	shalt  }
0x7a: {  	_ =	shalt  }
0x7b: {  	_ =	shalt  }
0x7c: {  	_ =	shalt  }
0x7d: {  	_ =	shalt  }
0x7e: {  	_ =	shalt  }
0x7f: {  	_ =	shalt  }
0x80: {  	_ =	shalt  }
0x81: {  	_ =	shalt  }
0x82: {  	_ =	shalt  }
0x83: {  	_ =	shalt  }
0x84: {  	_ =	shalt  }
0x85: {  	_ =	shalt  }
0x86: {  	_ =	shalt  }
0x87: {  	_ =	shalt  }
.Lfunc_end0:
.L_simem_size_0:
called_computation_lowered:
.L_overlay_start_0:
0x88: {  	s2 =	sld [smem:$0x3FD9]  }
0x89: {  	s3 =	sld [smem:$0x3FFE];
	_ =	sdelay $0x1  }
0x8a: {  	s1 =	srdreg.scid  }
0x8b: {  	s0 =	sand.u32 $0x1, s1  }
0x8c: {  	s16 =	sshll.u32 s0, $0xA;
	s2 =	sadd.s32 s3, s2  }
0x8d: {  	s2 =	sadd.s32 s2, s16  }
0x8e: {  	[smem:$0x3FC2] =	sst s2  }
0x8f: {  	_ = 	snop  }
0x90: {  	(tm) =	ssettm $0x1  }
0x91: {  	s17 =	sld [smem:$0x3FFB];
	_ =	sdelay $0x3  }
0x92: {  	_ =	strace s17  }
0x93: {  	s2 =	sld [smem:$0x3FFC];
	_ =	sdelay $0x3  }
0x94: {  	_ =	strace s2  }
0x95: {  	s2 =	sld [smem:$0x3FFD];
	_ =	sdelay $0x3  }
0x96: {  	_ =	strace s2  }
0x97: {  	_ =	strace $0x8FFFFFFF  }
0x98: {  	s18 =	sld [smem:$0x3FDB];
	_ =	sdelay $0x1  }
0x99: {  	s19 =	simm.s32 $_scs_section_size  }
0x9a: {  	s4 =	simm.s32 $_size__tile_overlayer_lowered;
	s5 =	simm.s32 $_tile_overlayer_lowered  }
0x9b: {  	s22 =	simm.s32 $0x1BFF;
	s21 =	sshll.u32 s5, $0x1;
	s2 =	sadd.s32 s19, s18  }
0x9c: {  	s6 =	simm.s32 $0x0;
	s20 =	sshll.u32 s4, $0x1;
	s4 =	sadd.s32 s21, s2  }
0x9d: {  	[timem:s6], [sflag:s22] =	dma.local [hbm:s4], s20  }
0x9e: {  	_ =	swait.ge [sflag:s22], s20  }
0x9f: {  	s3 =	ssub.s32 $0x0, s20;
	[sflag:s22] =	ssyncset.done $0x0  }
0xa0: {  	[sflag:s22] =	ssyncadd.s32 s3;
	_ =	sdelay $0x1  }
0xa1: {  	s23 =	simm.s32 $0x1B8B  }
0xa2: {  	_ =	swait.ge [sflag:s23], $0x1  }
0xa3: {  	[sflag:s23] =	ssyncset.done $0x0  }
0xa4: {  	s25 =	simm.s32 $0x1B8E;
	s24 =	sld [smem:$0x3FFE];
	[sflag:s23] =	ssyncadd.s32 $0xFFFFFFFF  }
0xa5: {  	s26 =	simm.s32 $execute0_lowered;
	[smem:$0x3FD2] =	sst s25  }
0xa6: {  	s4 =	sshll.u32 s26, $0x1;
	_ =	strace $0x80000046;
	[dreg:$0x1] =	wrdreg $0xFFFFFFFF  }
0xa7: {  	s28 =	simm.s32 $_size_execute0_lowered;
	s2 =	sadd.s32 s2, s4;
	[dreg:$0x0] =	wrdreg $0x0  }
0xa8: {  	s4 =	sshll.u32 s28, $0x1;
	[dreg:$0x2] =	wrdreg s2  }
0xa9: {  	[dreg:$0x3] =	wrdreg s4  }
0xaa: {  	[dreg:$0x4] =	wrdreg $0xC0  }
0xab: {  	_ =	task [dreg:s6], $0x5FFFF  }
0xac: {  	[dreg:$0x1] =	wrdreg $0xFFFFFFFF  }
0xad: {  	[dreg:$0x0] =	wrdreg $0x60  }
0xae: {  	[dreg:$0x2] =	wrdreg s24  }
0xaf: {  	[dreg:$0x3] =	wrdreg $0x68000  }
0xb0: {  	[dreg:$0x4] =	wrdreg $0x9  }
0xb1: {  	_ =	task.clear_ibuf [dreg:s6], $0x5FFFF;
	_ =	strace $0x90000046  }
0xb2: {  	s29 =	simm.s32 $0x9;
	_ =	strace $0x80000048  }
0xb3: {  	_ =	swait.ge [sflag:s29], $0x1  }
0xb4: {  	[sflag:s29] =	ssyncadd.s32 $0xFFFFFFFF  }
0xb5: {  	_ =	strace $0x90000048  }
0xb6: {  	_ =	sfence  }
0xb7: {  	s30 =	sld [smem:$0x0];
	_ =	sdelay $0x2  }
0xb8: {  	s31 =	sshll.u32 s1, $0xD;
	s1 =	sshrl.u32 s1, $0x2  }
0xb9: {  	s3 =	sand.u32 $0x4000, s31;
	s1 =	sadd.s32 s1, s30  }
0xba: {  	s0 =	sor.u32 s3, s0;
	s1 =	sshll.u32 s1, $0x11  }
0xbb: {  	s0 =	sor.u32 s1, s0  }
0xbc: {  	s0 =	sadd.s32 $0x8F2B, s0  }
0xbd: {  	[sflag:s0] =	ssyncadd.remote.s32 $0x1  }
0xbe: {  	_ =	sfence.sel $0xFFFF  }
0xbf: {  	[dreg:$0x0] =	wrdreg $0xFFFFFFFF;
	(pc) =	sbr.abs _section_cstart, $3  }
0xc0: {  	[dreg:$0x1] =	wrdreg $0xFFFFFFFF  }
0xc1: {  	_ =	task.clear_ibuf [dreg:s6], $0x2FFFF;
	_ =	strace $0x9FFFFFFF  }
0xc2: {  	(tm) =	ssettm $0x7FFFFFFF  }
0xc3: {  	_ =	shalt  }
tec
execute0_lowered:
.L_overlay_start_1:
0x0: {  	(tag) =	ssettag $0x1  }
0x1: {  	s6 =	rddreg [dreg:$0x0]  }
0x2: {  	s0 =	srdreg.scid;
	s2 =	rddreg [dreg:$0x1]  }
0x3: {  	s3 =	simm.s32 $0x0;
	s5 =	sand.u32 $0x1, s0;
	s0 =	stileid.u32  }
0x4: {  	s13 =	simm.s32 $0x80;
	s14 =	simm.s32 $0x1;
	s7 =	smul.u32 $0x14000, s0  }
0x5: {  	s15 =	simm.s32 $0x0;
	[smem:$0x7FF] =	sst s3;
	s8 =	smul.u32 $0x140000, s5  }
0x6: {  	s1 =	sshll.u32 s5, $0x4;
	s5 =	ssub.s32 $0x2, s5;
	s28 =	smul.u32 $0x50000, s0  }
0x7: {  	s31 =	sshll.u32 s0, $0x6;
	s1 =	sor.u32 s0, s1;
	s29 =	sshrl.u32 s5, $0x1  }
0x8: {  	s4 =	smul.u32 $0x500, s1;
	s1 =	rddreg [dreg:$0x2];
	_ =	strace $0x80000047  }
0x9: {  	s10 =	sshrl.u32 s7, $0x3;
	s7 =	sadd.s32 s7, s8;
	s11 =	ssub.s32 s5, s29  }
0xa: {  	s30 =	sshrl.u32 s28, $0x2;
	s7 =	sshrl.u32 s7, $0x3;
	s10 =	sadd.s32 s10, s6  }
0xb: {  	s12 =	sadd.s32 s30, s2;
	s8 =	smax.u32 s11, $0x1;
	s11 =	sor.u32 $0x1C02, s31  }
0xc: {  	s9 =	sadd.s32 s4, s6;
	s4 =	sadd.s32 $0x33600, s6;
	s7 =	sadd.s32 s7, s6  }
0xd: {  	s6 =	sadd.s32 $0xB600, s10;
	s10 =	simm.s32 $0x2800;
	s12 =	sshrl.u32 s12, $0x3  }
0xe: {  	s5 =	sadd.s32 $0x1600, s9;
	s7 =	sadd.s32 $0x33E00, s7;
	s9 =	simm.s32 $0x2  }
.LBB2_1:
0xf: {  	[tilespmem:s3], [sflag:$0x2] =	stream.linear.gather [hbm4b:s5+s3], $0x2800, $0x38;
	[tilespmem:$0x1A800] =	vst v63  }
0x10: {  	_ =	swait.ge [sflag:s9], $0x2800  }
0x11: {  	[sflag:s9] =	ssyncset.done $0x0  }
0x12: {  	[sflag:s9] =	ssyncadd.s32 $0xFFFFD800  }
0x13: {  	[tilespmem:s10], [sflag:$0x2] =	stream.linear.gather [hbm4b:s4+s3], $0x4000, $0x38;
	[tilespmem:$0x1A800] =	vst v63  }
0x14: {  	_ =	swait.ge [sflag:s9], $0x4000  }
0x15: {  	[sflag:s9] =	ssyncset.done $0x0  }
0x16: {  	[sflag:s9] =	ssyncadd.s32 $0xFFFFC000  }
0x17: {  	[spmem:s12], [sflag:s11] =	dma.local [hbm:s6], $0x2800  }
0x18: {  	_ =	swait.ge [sflag:s9], $0x2800  }
0x19: {  	[sflag:s9] =	ssyncset.done $0x0  }
0x1a: {  	[sflag:s9] =	ssyncadd.s32 $0xFFFFD800  }
0x1b: {  	s16 =	simm.s32 $0x0;
	[bflag:$0x0] =	sbarrier.arrive $0xFFFF  }
.LBB2_2:
0x1c: {  	p0 =	sne.s32 s16, $0x9E00  }
.Ltmp0:
0x1d: {  	_ = 	snop;
	(pc) =	sbr.rel @p0 .LBB2_2-.Ltmp0, $3  }
0x1e: {  	_ =	sdelay $0x1  }
0x1f: {  	s17 =	sshra.s32 s16, $0x2;
	s16 =	sadd.s32 $0x200, s16  }
0x20: {  	[spmem:s2] =	stream.indirect.scatter.add.f32 [tilespmem:s10], [sflag:$0x1], $0x80, s17, s13, $0xb8;
	[tilespmem:$0x1A800] =	vst v63  }
0x21: {  	_ =	swait.ge [sflag:s14], $0x4000  }
0x22: {  	s16 =	simm.s32 $0x4F;
	[sflag:s14] =	ssyncset.done $0x0  }
.LBB2_4:
0x23: {  	p0 =	sne.s32 s16, $0x1;
	s16 =	sadd.s32 $0xFFFFFFFF, s16;
	[sflag:s14] =	ssyncadd.s32 $0xFFFFC000  }
.Ltmp1:
0x24: {  	(pc) =	sbr.rel @p0 .LBB2_4-.Ltmp1, $3  }
0x25: {  	_ =	sdelay $0x1  }
0x26: {  	_ =	swait.ge [sflag:s14], $0x4000  }
0x27: {  	[sflag:s14] =	ssyncset.done $0x0  }
0x28: {  	s15 =	sadd.s32 $0x1, s15  }
0x29: {  	[sflag:s14] =	ssyncadd.s32 $0xFFFFC000;
	p0 =	sne.s32 s15, s8  }
.Ltmp2:
0x2a: {  	[bflag:$0x0] =	sbarrier.arrive $0xFFFF;
	(pc) =	sbr.rel @p0 .LBB2_1-.Ltmp2, $4  }
0x2b: {  	[hbm:s7], [sflag:s11] =	dma.local [spmem:s12], $0x2800  }
0x2c: {  	_ =	swait.ge [sflag:s9], $0x2800  }
0x2d: {  	[sflag:s9] =	ssyncset.done $0x0  }
0x2e: {  	[sflag:s9] =	ssyncadd.s32 $0xFFFFD800  }
0x2f: {  	_ =	sfence.sel $0x180000  }
0x30: {  	[bflag:$0x0] =	sbarrier.arrive $0xFFFF  }
0x31: {  	p0 =	sne.s32 s0, $0x0;
	_ =	strace $0x90000047  }
0x32: {  	s0 =	sadd.s32 @!p0 $0x100000, s1;
	[bflag:$0x2] =	sbarrier.arrive $0xFFFF  }
0x33: {  	[sflag:s0] =	ssyncadd.tile.s32 @!p0 $0x1;
	_ =	shalt  }
.Lfunc_end2:
_tile_overlayer_lowered:
.L_overlay_start_2:
0x34: {  	(tag) =	ssettag $0x2  }
0x35: {  	s0 =	rddreg [dreg:$0x0];
	s2 =	stileid.u32  }
0x36: {  	s1 =	rddreg [dreg:$0x1];
	p0 =	sne.s32 s2, $0x0  }
0x37: {  	s3 =	rddreg [dreg:$0x2];
	[bflag:$0x3] =	sbarrier.arrive $0xFFFF;
	s2 =	simm.s32 @!p0 $0x1C02  }
0x38: {  	[timem:s3], [sflag:s2] =	dma.local @!p0 [hbm:s0], s1  }
0x39: {  	s0 =	simm.s32 @!p0 $0x2  }
0x3a: {  	_ =	swait.ge @!p0 [sflag:s0], s1  }
0x3b: {  	s1 =	ssub.s32 @!p0 $0x0, s1;
	[sflag:s0] =	ssyncset.done @!p0 $0x0  }
0x3c: {  	[sflag:s0] =	ssyncadd.s32 @!p0 s1  }
0x3d: {  	[bflag:$0x3] =	sbarrier.arrive $0xFFFF  }
0x3e: {  	_ =	shalt  }

// kernel: kernel.9.cloned.1.call-start
scs
__scs_entry_jumppad:
0x0: {  	(pc) =	sbr.rel $0x88, $3  }
0x1: {  	(tag) =	ssettag $0x0;
	lr =	simm.s32 $0x1  }
0x2: {  	[smem:$0x3F9B] =	sst lr;
	_ =	strace $0xD0000000  }
0x3: {  	_ = 	snop  }
0x4: {  	_ = 	snop  }
0x5: {  	_ = 	snop  }
0x6: {  	_ = 	snop  }
0x7: {  	_ = 	snop  }
__scs_overlays_trampoline_lowered:
0x8: {  	[smem:$0x3FAA] =	sst s0  }
0x9: {  	[smem:$0x3FAB] =	sst s1  }
0xa: {  	[smem:$0x3FAC] =	sst s2  }
0xb: {  	[smem:$0x3FAD] =	sst s3  }
0xc: {  	[smem:$0x3FAE] =	sst s4  }
0xd: {  	[smem:$0x3FAF] =	sst s5  }
0xe: {  	[smem:$0x3FB0] =	sst s6  }
0xf: {  	[smem:$0x3FB1] =	sst s7  }
0x10: {  	[smem:$0x3FB2] =	sst s8  }
0x11: {  	[smem:$0x3FB3] =	sst s9;
	s0 =	simm.s32 @!p0 $0x0  }
0x12: {  	s1 =	sld [smem:$0x3F99];
	s0 =	simm.s32 @p0 $0x1  }
0x13: {  	[smem:$0x3FB4] =	sst s0;
	s0 =	simm.s32 @!p1 $0x0  }
0x14: {  	s2 =	sld [smem:$0x3F98];
	s0 =	simm.s32 @p1 $0x1  }
0x15: {  	[smem:$0x3FB5] =	sst s0;
	s0 =	simm.s32 @!p2 $0x0  }
0x16: {  	s3 =	sld [smem:$0x3FDB];
	s0 =	simm.s32 @p2 $0x1  }
0x17: {  	s4 =	simm.s32 $0x1BF5;
	[smem:$0x3FB7] =	sst s0  }
0x18: {  	s0 =	sld [smem:$0x3F9A];
	_ =	swait.ge [sflag:s4], $0x0  }
0x19: {  	s7 =	sld [smem:$0x3F9B]  }
0x1a: {  	s8 =	sadd.s32 $0xFFFFE003, lr  }
0x1b: {  	s9 =	sadd.s32 $0xFFFFFEF7, lr;
	s5 =	simm.s32 $0xFFFFFFFF;
	p2 =	slt.u32 s8, $0xFFFFF086  }
0x1c: {  	p1 =	slt.u32 s9, $0xF7A;
	s5 =	simm.s32 @!p2 $0x0  }
0x1d: {  	s5 =	simm.s32 @p1 $0x1;
	p0 =	seq.s32 s7, s2  }
0x1e: {  	s7 =	smul.u32 @!p0 $0xF7A, s2;
	p2 =	seq.s32 @!p0 s5, $0x0  }
0x1f: {  	s9 =	smul.u32 $0xF7A, s1;
	s8 =	simm.s32 @!p0 $0x1BF5;
	p2 =	por !p2, p0  }
0x20: {  	[sflag:s8] =	ssyncset.s32 @!p0 $0xFFFFF086;
	s6 =	sadd.s32 @!p0 s3, s7;
	s7 =	simm.s32 @!p0 $0x108  }
0x21: {  	s3 =	sadd.s32 s3, s9;
	s6 =	sadd.s32 @!p0 $0x88, s6;
	s7 =	simm.s32 @p2 $0x1082  }
0x22: {  	[simem:s7], [sflag:s8] =	dma.local @!p0 [hbm:s6], $0xF7A  }
0x23: {  	s9 =	sor.u32 $0xD0000000, s2;
	s6 =	simm.s32 $0x108;
	_ =	swait.ge @!p0 [sflag:s8], $0x0  }
0x24: {  	s3 =	sadd.s32 $0x88, s3;
	s6 =	simm.s32 @!p1 $0x1082;
	[sflag:s4] =	ssyncset.s32 $0xFFFFF086  }
0x25: {  	[simem:s6], [sflag:s4] =	dma.local [hbm:s3], $0xF7A  }
0x26: {  	[smem:$0x3F9B] =	sst s1;
	(tag) =	ssettag s2;
	_ =	strace s9  }
0x27: {  	s1 =	sld [smem:$0x3FAB]  }
0x28: {  	s2 =	sld [smem:$0x3FAC]  }
0x29: {  	s4 =	sld [smem:$0x3FAE]  }
0x2a: {  	p0 =	seq.s32 s5, $0x0;
	s5 =	sld [smem:$0x3FAF]  }
0x2b: {  	s6 =	sld [smem:$0x3FB0]  }
0x2c: {  	s7 =	sld [smem:$0x3FB1]  }
0x2d: {  	s3 =	simm.s32 $0x108;
	s8 =	sld [smem:$0x3FB2]  }
0x2e: {  	s3 =	simm.s32 @!p0 $0x1082;
	s9 =	sld [smem:$0x3FB3]  }
0x2f: {  	lr =	sadd.s32 s0, s3;
	s0 =	sld [smem:$0x3FAA]  }
0x30: {  	s3 =	sld [smem:$0x3FAD]  }
0x31: {  	[smem:$0x3FB6] =	sst s10  }
0x32: {  	s10 =	sld [smem:$0x3FB4];
	_ =	sdelay $0x3  }
0x33: {  	p0 =	seq.s32 s10, $0x1;
	s10 =	sld [smem:$0x3FB6];
	_ =	sdelay $0x3  }
0x34: {  	[smem:$0x3FB6] =	sst s10  }
0x35: {  	s10 =	sld [smem:$0x3FB5];
	_ =	sdelay $0x3  }
0x36: {  	p1 =	seq.s32 s10, $0x1;
	s10 =	sld [smem:$0x3FB6];
	_ =	sdelay $0x3  }
0x37: {  	[smem:$0x3FB6] =	sst s10  }
0x38: {  	s10 =	sld [smem:$0x3FB7]  }
0x39: {  	_ = 	snop;
	(pc) =	sbr.ind lr, $3  }
0x3a: {  	_ = 	snop  }
0x3b: {  	_ = 	snop  }
0x3c: {  	p2 =	seq.s32 s10, $0x1;
	s10 =	sld [smem:$0x3FB6]  }
0x3d: {  	_ =	shalt  }
0x3e: {  	_ =	shalt  }
0x3f: {  	_ =	shalt  }
0x40: {  	_ =	shalt  }
0x41: {  	_ =	shalt  }
0x42: {  	_ =	shalt  }
0x43: {  	_ =	shalt  }
0x44: {  	_ =	shalt  }
0x45: {  	_ =	shalt  }
0x46: {  	_ =	shalt  }
0x47: {  	_ =	shalt  }
0x48: {  	_ =	shalt  }
0x49: {  	_ =	shalt  }
0x4a: {  	_ =	shalt  }
0x4b: {  	_ =	shalt  }
0x4c: {  	_ =	shalt  }
0x4d: {  	_ =	shalt  }
0x4e: {  	_ =	shalt  }
0x4f: {  	_ =	shalt  }
0x50: {  	_ =	shalt  }
0x51: {  	_ =	shalt  }
0x52: {  	_ =	shalt  }
0x53: {  	_ =	shalt  }
0x54: {  	_ =	shalt  }
0x55: {  	_ =	shalt  }
0x56: {  	_ =	shalt  }
0x57: {  	_ =	shalt  }
0x58: {  	_ =	shalt  }
0x59: {  	_ =	shalt  }
0x5a: {  	_ =	shalt  }
0x5b: {  	_ =	shalt  }
0x5c: {  	_ =	shalt  }
0x5d: {  	_ =	shalt  }
0x5e: {  	_ =	shalt  }
0x5f: {  	_ =	shalt  }
0x60: {  	_ =	shalt  }
0x61: {  	_ =	shalt  }
0x62: {  	_ =	shalt  }
0x63: {  	_ =	shalt  }
0x64: {  	_ =	shalt  }
0x65: {  	_ =	shalt  }
0x66: {  	_ =	shalt  }
0x67: {  	_ =	shalt  }
0x68: {  	_ =	shalt  }
0x69: {  	_ =	shalt  }
0x6a: {  	_ =	shalt  }
0x6b: {  	_ =	shalt  }
0x6c: {  	_ =	shalt  }
0x6d: {  	_ =	shalt  }
0x6e: {  	_ =	shalt  }
0x6f: {  	_ =	shalt  }
0x70: {  	_ =	shalt  }
0x71: {  	_ =	shalt  }
0x72: {  	_ =	shalt  }
0x73: {  	_ =	shalt  }
0x74: {  	_ =	shalt  }
0x75: {  	_ =	shalt  }
0x76: {  	_ =	shalt  }
0x77: {  	_ =	shalt  }
0x78: {  	_ =	shalt  }
0x79: {  	_ =	shalt  }
0x7a: {  	_ =	shalt  }
0x7b: {  	_ =	shalt  }
0x7c: {  	_ =	shalt  }
0x7d: {  	_ =	shalt  }
0x7e: {  	_ =	shalt  }
0x7f: {  	_ =	shalt  }
0x80: {  	_ =	shalt  }
0x81: {  	_ =	shalt  }
0x82: {  	_ =	shalt  }
0x83: {  	_ =	shalt  }
0x84: {  	_ =	shalt  }
0x85: {  	_ =	shalt  }
0x86: {  	_ =	shalt  }
0x87: {  	_ =	shalt  }
.Lfunc_end0:
.L_simem_size_0:
called_computation.1_lowered:
.L_overlay_start_0:
0x88: {  	s2 =	sld [smem:$0x3FD9]  }
0x89: {  	s3 =	sld [smem:$0x3FFE];
	_ =	sdelay $0x1  }
0x8a: {  	s1 =	srdreg.scid  }
0x8b: {  	s0 =	sand.u32 $0x1, s1  }
0x8c: {  	s17 =	sshll.u32 s0, $0xA;
	s2 =	sadd.s32 s3, s2  }
0x8d: {  	s2 =	sadd.s32 s2, s17  }
0x8e: {  	[smem:$0x3FC2] =	sst s2  }
0x8f: {  	_ = 	snop  }
0x90: {  	s2 =	sld [smem:$0x3FD0];
	(tm) =	ssettm $0x1  }
0x91: {  	s18 =	sld [smem:$0x3FFB];
	_ =	sdelay $0x3  }
0x92: {  	_ =	strace s18  }
0x93: {  	s3 =	sld [smem:$0x3FFC];
	_ =	sdelay $0x3  }
0x94: {  	_ =	strace s3  }
0x95: {  	s3 =	sld [smem:$0x3FFD];
	_ =	sdelay $0x3  }
0x96: {  	_ =	strace s3  }
0x97: {  	_ =	strace $0x8FFFFFFF  }
0x98: {  	s19 =	sld [smem:$0x3FDB];
	_ =	sdelay $0x1  }
0x99: {  	s4 =	simm.s32 $_scs_section_size  }
0x9a: {  	s5 =	simm.s32 $_size__tile_overlayer_lowered;
	s6 =	simm.s32 $_tile_overlayer_lowered  }
0x9b: {  	s22 =	simm.s32 $0x1BFF;
	s21 =	sshll.u32 s6, $0x1;
	s3 =	sadd.s32 s4, s19  }
0x9c: {  	s7 =	simm.s32 $0x0;
	s20 =	sshll.u32 s5, $0x1;
	s5 =	sadd.s32 s21, s3  }
0x9d: {  	[timem:s7], [sflag:s22] =	dma.local [hbm:s5], s20  }
0x9e: {  	_ =	swait.ge [sflag:s22], s20  }
0x9f: {  	s4 =	ssub.s32 $0x0, s20;
	[sflag:s22] =	ssyncset.done $0x0  }
0xa0: {  	[sflag:s22] =	ssyncadd.s32 s4;
	_ =	sdelay $0x1  }
0xa1: {  	s23 =	simm.s32 $0x1B8B  }
0xa2: {  	_ =	swait.ge [sflag:s23], $0x1  }
0xa3: {  	[sflag:s23] =	ssyncset.done $0x0  }
0xa4: {  	s25 =	simm.s32 $0x1B8E;
	s24 =	sld [smem:$0x3FFE];
	[sflag:s23] =	ssyncadd.s32 $0xFFFFFFFF  }
0xa5: {  	s26 =	simm.s32 $execute0_lowered;
	[smem:$0x3FD2] =	sst s25  }
0xa6: {  	s5 =	sshll.u32 s26, $0x1;
	_ =	strace $0x80000049;
	[dreg:$0x1] =	wrdreg $0xFFFFFFFF  }
0xa7: {  	s28 =	simm.s32 $_size_execute0_lowered;
	s3 =	sadd.s32 s3, s5;
	[dreg:$0x0] =	wrdreg $0x0  }
0xa8: {  	s5 =	sshll.u32 s28, $0x1;
	[dreg:$0x2] =	wrdreg s3  }
0xa9: {  	[dreg:$0x3] =	wrdreg s5  }
0xaa: {  	[dreg:$0x4] =	wrdreg $0xC0  }
0xab: {  	_ =	task [dreg:s7], $0x5FFFF  }
0xac: {  	[dreg:$0x1] =	wrdreg $0xFFFFFFFF  }
0xad: {  	[dreg:$0x0] =	wrdreg $0x60  }
0xae: {  	[dreg:$0x2] =	wrdreg s24  }
0xaf: {  	[dreg:$0x3] =	wrdreg s2  }
0xb0: {  	[dreg:$0x4] =	wrdreg $0xB6000  }
0xb1: {  	[dreg:$0x5] =	wrdreg $0x9  }
0xb2: {  	_ =	task.clear_ibuf [dreg:s7], $0x6FFFF;
	_ =	strace $0x90000049  }
0xb3: {  	s29 =	simm.s32 $0x9;
	_ =	strace $0x8000004B  }
0xb4: {  	_ =	swait.ge [sflag:s29], $0x1  }
0xb5: {  	[sflag:s29] =	ssyncadd.s32 $0xFFFFFFFF  }
0xb6: {  	_ =	strace $0x9000004B  }
0xb7: {  	_ =	sfence  }
0xb8: {  	s30 =	sld [smem:$0x0];
	_ =	sdelay $0x2  }
0xb9: {  	s31 =	sshll.u32 s1, $0xD;
	s1 =	sshrl.u32 s1, $0x2  }
0xba: {  	s3 =	sand.u32 $0x4000, s31;
	s1 =	sadd.s32 s1, s30  }
0xbb: {  	s0 =	sor.u32 s3, s0;
	s1 =	sshll.u32 s1, $0x11  }
0xbc: {  	s0 =	sor.u32 s1, s0  }
0xbd: {  	s0 =	sadd.s32 $0x8F2B, s0  }
0xbe: {  	[sflag:s0] =	ssyncadd.remote.s32 $0x1  }
0xbf: {  	_ =	sfence.sel $0xFFFF  }
0xc0: {  	[dreg:$0x0] =	wrdreg $0xFFFFFFFF;
	(pc) =	sbr.abs _section_cstart, $3  }
0xc1: {  	[dreg:$0x1] =	wrdreg $0xFFFFFFFF  }
0xc2: {  	_ =	task.clear_ibuf [dreg:s7], $0x2FFFF;
	_ =	strace $0x9FFFFFFF  }
0xc3: {  	(tm) =	ssettm $0x7FFFFFFF  }
tec
execute0_lowered:
.L_overlay_start_1:
0x0: {  	(tag) =	ssettag $0x1  }
0x1: {  	s5 =	rddreg [dreg:$0x0]  }
0x2: {  	s0 =	srdreg.scid;
	s7 =	rddreg [dreg:$0x1]  }
0x3: {  	s26 =	stileid.u32;
	s2 =	rddreg [dreg:$0x2];
	s3 =	simm.s32 $0x0  }
0x4: {  	s16 =	simm.s32 $0x50;
	s17 =	simm.s32 $0x6600;
	s18 =	simm.s32 $0x8E00  }
0x5: {  	s19 =	simm.s32 $0x1;
	s20 =	simm.s32 $0x3;
	s21 =	simm.s32 $0x2  }
0x6: {  	s22 =	simm.s32 $0x4;
	s23 =	simm.s32 $0x6480;
	s24 =	simm.s32 $0x26C0  }
0x7: {  	s25 =	simm.s32 $0x6500;
	s28 =	simm.s32 $0x0;
	s6 =	sand.u32 $0x1, s0  }
0x8: {  	s9 =	sshll.u32 s26, $0x7;
	[smem:$0x7FF] =	sst s3;
	s10 =	smul.u32 $0x14000, s26  }
0x9: {  	s29 =	smul.u32 $0x50000, s26;
	s14 =	sshll.u32 s26, $0x6;
	s1 =	sshll.u32 s6, $0x4  }
0xa: {  	s9 =	sand.u32 $0x380, s9;
	_ =	strace $0x8000004A;
	s11 =	smul.u32 $0x140000, s6  }
0xb: {  	s6 =	ssub.s32 $0x2, s6;
	s14 =	sor.u32 $0x1C05, s14;
	s8 =	sor.u32 s26, s1  }
0xc: {  	s12 =	sshrl.u32 s10, $0x3;
	s30 =	sshrl.u32 s6, $0x1;
	s31 =	sshrl.u32 s29, $0x2  }
0xd: {  	s26 =	simm.s32 $0x6580;
	s4 =	sshrl.u32 s8, $0x3;
	s12 =	sadd.s32 s12, s5  }
0xe: {  	s10 =	sadd.s32 s10, s11;
	s8 =	smul.u32 $0x7D0, s8;
	s13 =	ssub.s32 s6, s30  }
0xf: {  	s15 =	sadd.s32 s31, s2;
	s4 =	smul.u32 $0x13C00, s4;
	s10 =	sshrl.u32 s10, $0x3  }
0x10: {  	s11 =	simm.s32 $0x400;
	s15 =	sshrl.u32 s15, $0x3;
	s10 =	sadd.s32 s10, s5  }
0x11: {  	s6 =	sadd.s32 s7, s8;
	s7 =	sadd.s32 $0xB600, s12;
	s9 =	sor.u32 s9, s4  }
0x12: {  	s12 =	simm.s32 $0x5;
	s4 =	sadd.s32 $0x33600, s5;
	s9 =	sshrl.u32 s9, $0x3  }
0x13: {  	s8 =	sadd.s32 $0x8DC00, s10;
	s10 =	simm.s32 $0x80;
	s9 =	sadd.s32 s9, s5  }
0x14: {  	s5 =	sadd.s32 $0x83E00, s9;
	s9 =	smax.u32 s13, $0x1;
	s13 =	simm.s32 $0x2780  }
.LBB2_1:
0x15: {  	[tilespmem:s3], [sflag:$0x5] =	stream.strided.gather [hbm4b:s5+s10], $0x2780, s11, s10, $0x38;
	[tilespmem:$0x1F600] =	vst v63  }
0x16: {  	_ =	swait.ge [sflag:s12], $0x2780  }
0x17: {  	[sflag:s12] =	ssyncset.done $0x0  }
0x18: {  	[sflag:s12] =	ssyncadd.s32 $0xFFFFD880  }
0x19: {  	[tilespmem:s13], [sflag:$0x5] =	stream.linear.gather [hbm4b:s6+s3], $0x3E80, $0x38;
	[tilespmem:$0x1F600] =	vst v63  }
0x1a: {  	_ =	swait.ge [sflag:s12], $0x3E80  }
0x1b: {  	[sflag:s12] =	ssyncset.done $0x0  }
0x1c: {  	[sflag:s12] =	ssyncadd.s32 $0xFFFFC180  }
0x1d: {  	[spmem:s15], [sflag:s14] =	dma.local [hbm:s7], $0x2800  }
0x1e: {  	_ =	swait.ge [sflag:s12], $0x2800  }
0x1f: {  	[sflag:s12] =	ssyncset.done $0x0  }
0x20: {  	[sflag:s12] =	ssyncadd.s32 $0xFFFFD800  }
0x21: {  	[bflag:$0x0] =	sbarrier.arrive $0xFFFF  }
0x22: {  	[tilespmem:s17], [sflag:$0x1] =	stream.indirect.gather [hbm4b:s4+s16], $0x80, s3, s16, $0xb8;
	[tilespmem:$0x1F600] =	vst v63  }
0x23: {  	_ = 	snop  }
0x24: {  	[tilespmem:s18], [sflag:$0x2] =	stream.indirect.gather [hbm4b:s4+s16], $0x80, s16, s16, $0xb8;
	[tilespmem:$0x1F600] =	vst v63  }
0x25: {  	_ =	swait.ge [sflag:s19], $0x2800  }
0x26: {  	[sflag:s19] =	ssyncset.done $0x0  }
0x27: {  	s29 =	simm.s32 $0x2780;
	[sflag:s19] =	ssyncadd.s32 $0xFFFFD800  }
0x28: {  	[spmem:s2] =	stream.indirect.scatter.add.f32 [tilespmem:s17], [sflag:$0x3], $0x80, s29, s16, $0xb8;
	[tilespmem:$0x1F600] =	vst v63  }
0x29: {  	_ =	swait.ge [sflag:s20], $0x2800  }
0x2a: {  	[sflag:s20] =	ssyncset.done $0x0  }
0x2b: {  	s29 =	simm.s32 $0xA0;
	[sflag:s20] =	ssyncadd.s32 $0xFFFFD800  }
0x2c: {  	[tilespmem:s17], [sflag:$0x1] =	stream.indirect.gather [hbm4b:s4+s16], $0x80, s29, s16, $0xb8;
	[tilespmem:$0x1F600] =	vst v63  }
0x2d: {  	_ =	swait.ge [sflag:s21], $0x2800  }
0x2e: {  	[sflag:s21] =	ssyncset.done $0x0  }
0x2f: {  	s29 =	simm.s32 $0x2800;
	[sflag:s21] =	ssyncadd.s32 $0xFFFFD800  }
0x30: {  	[spmem:s2] =	stream.indirect.scatter.add.f32 [tilespmem:s18], [sflag:$0x4], $0x80, s29, s16, $0xb8;
	[tilespmem:$0x1F600] =	vst v63  }
0x31: {  	_ =	swait.ge [sflag:s22], $0x2800  }
0x32: {  	s30 =	simm.s32 $0x400;
	[sflag:s22] =	ssyncset.done $0x0  }
0x33: {  	s31 =	simm.s32 $0x190;
	s29 =	simm.s32 $0xF0;
	[sflag:s22] =	ssyncadd.s32 $0xFFFFD800  }
.LBB2_2:
0x34: {  	[tilespmem:s18], [sflag:$0x2] =	stream.indirect.gather [hbm4b:s4+s16], $0x80, s29, s16, $0xb8;
	[tilespmem:$0x1F600] =	vst v63  }
0x35: {  	s1 =	smov.u32 s30;
	s29 =	smov.u32 s31  }
0x36: {  	p0 =	sne.s32 s30, $0xF000;
	s30 =	sadd.s32 $0x400, s30;
	_ =	swait.ge [sflag:s19], $0x2800  }
0x37: {  	s1 =	sshra.s32 s1, $0x2;
	[sflag:s19] =	ssyncset.done $0x0  }
0x38: {  	s0 =	sadd.s32 $0x2780, s1;
	[sflag:s19] =	ssyncadd.s32 $0xFFFFD800  }
0x39: {  	[spmem:s2] =	stream.indirect.scatter.add.f32 [tilespmem:s17], [sflag:$0x3], $0x80, s0, s16, $0xb8;
	[tilespmem:$0x1F600] =	vst v63  }
0x3a: {  	_ =	swait.ge [sflag:s20], $0x2800  }
0x3b: {  	[sflag:s20] =	ssyncset.done $0x0  }
0x3c: {  	s0 =	sadd.s32 $0xFFFFFFB0, s31;
	[sflag:s20] =	ssyncadd.s32 $0xFFFFD800  }
0x3d: {  	[tilespmem:s17], [sflag:$0x1] =	stream.indirect.gather [hbm4b:s4+s16], $0x80, s0, s16, $0xb8;
	[tilespmem:$0x1F600] =	vst v63  }
0x3e: {  	_ =	swait.ge [sflag:s21], $0x2800  }
0x3f: {  	[sflag:s21] =	ssyncset.done $0x0  }
.Ltmp0:
0x40: {  	s0 =	sadd.s32 $0x2800, s1;
	[sflag:s21] =	ssyncadd.s32 $0xFFFFD800;
	(pc) =	sbr.rel @p0 .LBB2_2-.Ltmp0, $4  }
0x41: {  	[spmem:s2] =	stream.indirect.scatter.add.f32 [tilespmem:s18], [sflag:$0x4], $0x80, s0, s16, $0xb8;
	[tilespmem:$0x1F600] =	vst v63  }
0x42: {  	_ =	swait.ge [sflag:s22], $0x2800  }
0x43: {  	[sflag:s22] =	ssyncset.done $0x0  }
0x44: {  	s31 =	sadd.s32 $0xA0, s31;
	[sflag:s22] =	ssyncadd.s32 $0xFFFFD800  }
0x45: {  	[tilespmem:s18], [sflag:$0x2] =	stream.indirect.gather [hbm4b:s4+s16], $0x80, s29, s16, $0xb8;
	[tilespmem:$0x1F600] =	vst v63  }
0x46: {  	_ =	swait.ge [sflag:s19], $0x2800  }
0x47: {  	[sflag:s19] =	ssyncset.done $0x0  }
0x48: {  	[sflag:s19] =	ssyncadd.s32 $0xFFFFD800  }
0x49: {  	[spmem:s2] =	stream.indirect.scatter.add.f32 [tilespmem:s17], [sflag:$0x3], $0x80, s23, s16, $0xb8;
	[tilespmem:$0x1F600] =	vst v63  }
0x4a: {  	_ =	swait.ge [sflag:s20], $0x2800  }
0x4b: {  	[sflag:s20] =	ssyncset.done $0x0  }
0x4c: {  	[sflag:s20] =	ssyncadd.s32 $0xFFFFD800  }
0x4d: {  	[tilespmem:s17], [sflag:$0x1] =	stream.indirect.gather [hbm4b:s4+s16], $0x80, s24, s16, $0xb8;
	[tilespmem:$0x1F600] =	vst v63  }
0x4e: {  	_ =	swait.ge [sflag:s21], $0x2800  }
0x4f: {  	[sflag:s21] =	ssyncset.done $0x0  }
0x50: {  	[sflag:s21] =	ssyncadd.s32 $0xFFFFD800  }
0x51: {  	[spmem:s2] =	stream.indirect.scatter.add.f32 [tilespmem:s18], [sflag:$0x4], $0x80, s25, s16, $0xb8;
	[tilespmem:$0x1F600] =	vst v63  }
0x52: {  	_ =	swait.ge [sflag:s22], $0x2800  }
0x53: {  	[sflag:s22] =	ssyncset.done $0x0  }
0x54: {  	[sflag:s22] =	ssyncadd.s32 $0xFFFFD800  }
0x55: {  	_ =	swait.ge [sflag:s19], $0x2800  }
0x56: {  	[sflag:s19] =	ssyncset.done $0x0  }
0x57: {  	[sflag:s19] =	ssyncadd.s32 $0xFFFFD800  }
0x58: {  	[spmem:s2] =	stream.indirect.scatter.add.f32 [tilespmem:s17], [sflag:$0x3], $0x80, s26, s16, $0xb8;
	[tilespmem:$0x1F600] =	vst v63  }
0x59: {  	_ =	swait.ge [sflag:s20], $0x2800  }
0x5a: {  	s28 =	sadd.s32 $0x1, s28;
	[sflag:s20] =	ssyncset.done $0x0  }
0x5b: {  	p0 =	sne.s32 s28, s9;
	[sflag:s20] =	ssyncadd.s32 $0xFFFFD800  }
.Ltmp1:
0x5c: {  	[bflag:$0x0] =	sbarrier.arrive $0xFFFF;
	(pc) =	sbr.rel @p0 .LBB2_1-.Ltmp1, $4  }
0x5d: {  	[hbm:s8], [sflag:s14] =	dma.local [spmem:s15], $0x2800  }
0x5e: {  	_ =	swait.ge [sflag:s12], $0x2800  }
0x5f: {  	[sflag:s12] =	ssyncset.done $0x0  }
0x60: {  	[sflag:s12] =	ssyncadd.s32 $0xFFFFD800  }
0x61: {  	_ =	sfence.sel $0x180000  }
0x62: {  	[bflag:$0x0] =	sbarrier.arrive $0xFFFF  }
0x63: {  	_ =	strace $0x9000004A  }
0x64: {  	s0 =	stileid.u32;
	[bflag:$0x2] =	sbarrier.arrive $0xFFFF  }
0x65: {  	p0 =	sne.s32 s0, $0x0;
	s0 =	rddreg [dreg:$0x3]  }
0x66: {  	s0 =	sadd.s32 @!p0 $0x100000, s0  }
0x67: {  	[sflag:s0] =	ssyncadd.tile.s32 @!p0 $0x1;
	_ =	shalt  }
.Lfunc_end2:
_tile_overlayer_lowered:
.L_overlay_start_2:
0x68: {  	(tag) =	ssettag $0x2  }
0x69: {  	s0 =	rddreg [dreg:$0x0];
	s2 =	stileid.u32  }
0x6a: {  	s1 =	rddreg [dreg:$0x1];
	p0 =	sne.s32 s2, $0x0  }
0x6b: {  	s3 =	rddreg [dreg:$0x2];
	[bflag:$0x3] =	sbarrier.arrive $0xFFFF;
	s2 =	simm.s32 @!p0 $0x1C05  }
0x6c: {  	[timem:s3], [sflag:s2] =	dma.local @!p0 [hbm:s0], s1  }
0x6d: {  	s0 =	simm.s32 @!p0 $0x5  }
0x6e: {  	_ =	swait.ge @!p0 [sflag:s0], s1  }
0x6f: {  	s1 =	ssub.s32 @!p0 $0x0, s1;
	[sflag:s0] =	ssyncset.done @!p0 $0x0  }
0x70: {  	[sflag:s0] =	ssyncadd.s32 @!p0 s1  }
0x71: {  	[bflag:$0x3] =	sbarrier.arrive $0xFFFF  }
0x72: {  	_ =	shalt  }

</sc_bundles>
